<compile_context>
chip_gen: v7x
topology: tpu7x:2x2x1
jax: 0.10.2.dev20260603
libtpu: 0.0.44.dev20260713+nightly
codegen_flags: <defaults>
</compile_context>

<pallas_src>
import functools

import jax
import jax.numpy as jnp
from jax import lax
from jax.experimental import pallas as pl
from jax.experimental.pallas import tpu as pltpu
from jax.experimental.pallas import tpu_sc as plsc

_R = 1024
_L = 16


def _scores(q, db):
    cn = jnp.sum(db * db, axis=0, keepdims=True)
    return cn - 2.0 * lax.dot_general(
        q, db, (((0,), (0,)), ((), ())),
        preferred_element_type=jnp.float32)


def _select(s, colf, out_ref, nsel):
    inf = jnp.float32(jnp.inf)

    def argat(m):
        ii = jnp.min(jnp.where(s == m, colf, inf), axis=1, keepdims=True)
        return ii[:, 0].astype(jnp.int32)

    m1 = jnp.min(s, axis=1, keepdims=True)
    if nsel == 1:
        out_ref[0, 0, :] = argat(m1)
    else:
        m2 = jnp.min(jnp.where(s > m1, s, inf), axis=1, keepdims=True)
        out_ref[0, 0, :] = argat(m2)
        m3 = jnp.min(jnp.where(s > m2, s, inf), axis=1, keepdims=True)
        out_ref[0, 1, :] = argat(m3)


def _knn_self_body(q_ref, db_ref, out_ref):
    s = _scores(q_ref[0], db_ref[0])
    colf = lax.broadcasted_iota(jnp.int32, s.shape, 1).astype(jnp.float32)
    _select(s, colf, out_ref, 2)


def _knn_adv_body(q_ref, dba_ref, dbp_ref, outa_ref, outp_ref):
    sa = _scores(q_ref[0], dba_ref[0])
    colf = lax.broadcasted_iota(jnp.int32, sa.shape, 1).astype(jnp.float32)
    _select(sa, colf, outa_ref, 2)
    _select(_scores(q_ref[0], dbp_ref[0]), colf, outp_ref, 1)


def _knn_self(pc):
    b, _, n = pc.shape
    return pl.pallas_call(
        _knn_self_body,
        grid=(b, n // _R),
        in_specs=[
            pl.BlockSpec((1, 3, _R), lambda bb, r: (bb, 0, r)),
            pl.BlockSpec((1, 3, n), lambda bb, r: (bb, 0, 0)),
        ],
        out_specs=pl.BlockSpec((1, 2, _R), lambda bb, r: (bb, 0, r)),
        out_shape=jax.ShapeDtypeStruct((b, 2, n), jnp.int32),
    )(pc, pc)


def _knn_adv(adv, pc):
    b, _, n = adv.shape
    return pl.pallas_call(
        _knn_adv_body,
        grid=(b, n // _R),
        in_specs=[
            pl.BlockSpec((1, 3, _R), lambda bb, r: (bb, 0, r)),
            pl.BlockSpec((1, 3, n), lambda bb, r: (bb, 0, 0)),
            pl.BlockSpec((1, 3, n), lambda bb, r: (bb, 0, 0)),
        ],
        out_specs=[
            pl.BlockSpec((1, 2, _R), lambda bb, r: (bb, 0, r)),
            pl.BlockSpec((1, 1, _R), lambda bb, r: (bb, 0, r)),
        ],
        out_shape=[
            jax.ShapeDtypeStruct((b, 2, n), jnp.int32),
            jax.ShapeDtypeStruct((b, 1, n), jnp.int32),
        ],
    )(adv, adv, pc)


def _rsqrt(s):
    i = plsc.bitcast(s, jnp.int32)
    i = jnp.int32(0x5F3759DF) - (i >> 1)
    y = plsc.bitcast(i, jnp.float32)
    for _ in range(3):
        y = y * (1.5 - 0.5 * s * y * y)
    return y


def _sc_grid():
    info = plsc.get_sparse_core_info()
    return info.num_cores, info.num_subcores, info.num_cores * info.num_subcores


def _kappa_sc(pcx, pcy, pcz, nx, ny, nz, i1, i2):
    b, n = pcx.shape
    _, _, nw = _sc_grid()
    ppw = b * n // nw
    per_b = n // ppw
    mesh = plsc.VectorSubcoreMesh(core_axis_name="c", subcore_axis_name="s")

    @functools.partial(
        pl.kernel, mesh=mesh,
        compiler_params=pltpu.CompilerParams(needs_layout_passes=False),
        out_type=jax.ShapeDtypeStruct((b, n), jnp.float32),
        scratch_types=[
            pltpu.VMEM((n,), jnp.float32),
            pltpu.VMEM((n,), jnp.float32),
            pltpu.VMEM((n,), jnp.float32),
            pltpu.VMEM((ppw,), jnp.float32),
            pltpu.VMEM((ppw,), jnp.float32),
            pltpu.VMEM((ppw,), jnp.float32),
            pltpu.VMEM((ppw,), jnp.int32),
            pltpu.VMEM((ppw,), jnp.int32),
            pltpu.VMEM((ppw,), jnp.float32),
        ],
    )
    def k(pcx_h, pcy_h, pcz_h, nx_h, ny_h, nz_h, i1_h, i2_h, out_h,
          pxv, pyv, pzv, nxv, nyv, nzv, i1v, i2v, ov):
        nc, _, _ = _sc_grid()
        wid = lax.axis_index("s") * nc + lax.axis_index("c")
        bb = wid // per_b
        base = (wid % per_b) * ppw
        pltpu.sync_copy(pcx_h.at[bb], pxv)
        pltpu.sync_copy(pcy_h.at[bb], pyv)
        pltpu.sync_copy(pcz_h.at[bb], pzv)
        pltpu.sync_copy(nx_h.at[bb, pl.ds(base, ppw)], nxv)
        pltpu.sync_copy(ny_h.at[bb, pl.ds(base, ppw)], nyv)
        pltpu.sync_copy(nz_h.at[bb, pl.ds(base, ppw)], nzv)
        pltpu.sync_copy(i1_h.at[bb, pl.ds(base, ppw)], i1v)
        pltpu.sync_copy(i2_h.at[bb, pl.ds(base, ppw)], i2v)

        def body(i, carry):
            sl = pl.ds(i * _L, _L)
            gsl = pl.ds(base + i * _L, _L)
            sx, sy, sz = pxv[gsl], pyv[gsl], pzv[gsl]
            mx, my, mz = nxv[sl], nyv[sl], nzv[sl]
            acc = jnp.zeros((_L,), jnp.float32)
            for jv in (i1v[sl], i2v[sl]):
                vx = plsc.load_gather(pxv, [jv]) - sx
                vy = plsc.load_gather(pyv, [jv]) - sy
                vz = plsc.load_gather(pzv, [jv]) - sz
                r = _rsqrt(vx * vx + vy * vy + vz * vz)
                acc = acc + jnp.abs(vx * mx + vy * my + vz * mz) * r
            ov[sl] = 0.5 * acc
            return carry

        lax.fori_loop(0, ppw // _L, body, 0)
        pltpu.sync_copy(ov, out_h.at[bb, pl.ds(base, ppw)])

    return k(pcx, pcy, pcz, nx, ny, nz, i1, i2)


def _loss_sc(ax, ay, az, nx, ny, nz, kap, i21, i22, i1n):
    b, n = ax.shape
    _, _, nw = _sc_grid()
    ppw = b * n // nw
    per_b = n // ppw
    mesh = plsc.VectorSubcoreMesh(core_axis_name="c", subcore_axis_name="s")

    @functools.partial(
        pl.kernel, mesh=mesh,
        compiler_params=pltpu.CompilerParams(needs_layout_passes=False),
        out_type=jax.ShapeDtypeStruct((nw, _L), jnp.float32),
        scratch_types=[
            pltpu.VMEM((n,), jnp.float32),
            pltpu.VMEM((n,), jnp.float32),
            pltpu.VMEM((n,), jnp.float32),
            pltpu.VMEM((n,), jnp.float32),
            pltpu.VMEM((n,), jnp.float32),
            pltpu.VMEM((n,), jnp.float32),
            pltpu.VMEM((n,), jnp.float32),
            pltpu.VMEM((ppw,), jnp.int32),
            pltpu.VMEM((ppw,), jnp.int32),
            pltpu.VMEM((ppw,), jnp.int32),
            pltpu.VMEM((_L,), jnp.float32),
        ],
    )
    def k(ax_h, ay_h, az_h, nx_h, ny_h, nz_h, kap_h, i21_h, i22_h, i1_h,
          out_h, axv, ayv, azv, nxv, nyv, nzv, kapv, i21v, i22v, i1v, accv):
        nc, _, _ = _sc_grid()
        wid = lax.axis_index("s") * nc + lax.axis_index("c")
        bb = wid // per_b
        base = (wid % per_b) * ppw
        pltpu.sync_copy(ax_h.at[bb], axv)
        pltpu.sync_copy(ay_h.at[bb], ayv)
        pltpu.sync_copy(az_h.at[bb], azv)
        pltpu.sync_copy(nx_h.at[bb], nxv)
        pltpu.sync_copy(ny_h.at[bb], nyv)
        pltpu.sync_copy(nz_h.at[bb], nzv)
        pltpu.sync_copy(kap_h.at[bb], kapv)
        pltpu.sync_copy(i21_h.at[bb, pl.ds(base, ppw)], i21v)
        pltpu.sync_copy(i22_h.at[bb, pl.ds(base, ppw)], i22v)
        pltpu.sync_copy(i1_h.at[bb, pl.ds(base, ppw)], i1v)

        def body(i, acc):
            sl = pl.ds(i * _L, _L)
            gsl = pl.ds(base + i * _L, _L)
            sx, sy, sz = axv[gsl], ayv[gsl], azv[gsl]
            jn = i1v[sl]
            mx = plsc.load_gather(nxv, [jn])
            my = plsc.load_gather(nyv, [jn])
            mz = plsc.load_gather(nzv, [jn])
            ak = jnp.zeros((_L,), jnp.float32)
            for jv in (i21v[sl], i22v[sl]):
                vx = plsc.load_gather(axv, [jv]) - sx
                vy = plsc.load_gather(ayv, [jv]) - sy
                vz = plsc.load_gather(azv, [jv]) - sz
                r = _rsqrt(vx * vx + vy * vy + vz * vz)
                ak = ak + jnp.abs(vx * mx + vy * my + vz * mz) * r
            diff = 0.5 * ak - plsc.load_gather(kapv, [jn])
            return acc + diff * diff

        acc = lax.fori_loop(0, ppw // _L, body, jnp.zeros((_L,), jnp.float32))
        accv[...] = acc
        pltpu.sync_copy(accv, out_h.at[wid])

    return k(ax, ay, az, nx, ny, nz, kap, i21, i22, i1n)


def kernel(pc_ori, input_curr_iter, normal_ori):
    b, _, n = pc_ori.shape
    pcx, pcy, pcz = pc_ori[:, 0], pc_ori[:, 1], pc_ori[:, 2]
    nx, ny, nz = normal_ori[:, 0], normal_ori[:, 1], normal_ori[:, 2]
    ax, ay, az = (input_curr_iter[:, 0], input_curr_iter[:, 1],
                  input_curr_iter[:, 2])
    io = _knn_self(pc_ori)
    kap = _kappa_sc(pcx, pcy, pcz, nx, ny, nz, io[:, 0], io[:, 1])
    i2s, i1s = _knn_adv(input_curr_iter, pc_ori)
    i21, i22 = i2s[:, 0], i2s[:, 1]
    i1n = i1s[:, 0]
    partials = _loss_sc(ax, ay, az, nx, ny, nz, kap, i21, i22, i1n)
    return (10.0 / n) * jnp.sum(partials.reshape(b, -1), axis=1)

# --- scband reference (transcript-rebuilt; emitter-appended) ---
"""Pipeline reference for scband-curv-loss-41051297415804 (READ-ONLY COPY).

The authoritative reference and input builder live on the scoring server;
editing this copy changes nothing except your own understanding.
"""

import jax, jax.numpy as jnp
import numpy as np


def _knn_idx(p1, p2, K):
    # p1: [b, n, 3], p2: [b, m, 3] -> idx of K nearest neighbors in p2 for each p1 point
    d = (jnp.sum(p1 * p1, axis=-1)[:, :, None]
         + jnp.sum(p2 * p2, axis=-1)[:, None, :]
         - 2.0 * jnp.einsum('bnd,bmd->bnm', p1, p2))
    _, idx = jax.lax.top_k(-d, K)
    return idx


def _knn_gather(x, idx):
    # x: [b, m, d], idx: [b, n, K] -> [b, n, K, d]
    return jax.vmap(lambda xb, ib: xb[ib])(x, idx)


def _normalize(v, axis=1, eps=1e-12):
    n = jnp.sqrt(jnp.sum(v * v, axis=axis, keepdims=True))
    return v / jnp.maximum(n, eps)


def setup_inputs(seed: int = 0) -> dict:
    key = jax.random.key(seed)
    k1, k2, k3 = jax.random.split(key, 3)
    b, n = 4, 4096
    pc_ori = jax.random.normal(k1, (b, 3, n), dtype=jnp.float32)
    input_curr_iter = jax.random.normal(k2, (b, 3, n), dtype=jnp.float32)
    normal_ori = jax.random.normal(k3, (b, 3, n), dtype=jnp.float32)
    return {"pc_ori": pc_ori, "input_curr_iter": input_curr_iter, "normal_ori": normal_ori}


def reference(pc_ori, input_curr_iter, normal_ori):
    k = 2  # curv_loss_knn
    # ---- _get_kappa_ori(pc_ori, normal_ori, k) ----
    pc_t = jnp.transpose(pc_ori, (0, 2, 1))  # [b, n, 3]
    idx_ori = _knn_idx(pc_t, pc_t, k + 1)
    nn_pts = jnp.transpose(_knn_gather(pc_t, idx_ori), (0, 3, 1, 2))[:, :, :, 1:]  # [b,3,n,k]
    vectors = _normalize(nn_pts - pc_ori[:, :, :, None], axis=1)
    kappa_ori = jnp.mean(jnp.abs(jnp.sum(vectors * normal_ori[:, :, :, None], axis=1)), axis=2)  # [b,n]
    # ---- _get_kappa_adv(input_curr_iter, pc_ori, normal_ori, k) ----
    adv_t = jnp.transpose(input_curr_iter, (0, 2, 1))  # [b, n, 3]
    nrm_t = jnp.transpose(normal_ori, (0, 2, 1))  # [b, n, 3]
    idx1 = _knn_idx(adv_t, pc_t, 1)  # [b, n, 1]
    normal = jnp.transpose(_knn_gather(nrm_t, idx1), (0, 3, 1, 2))[:, :, :, 0]  # [b,3,n]
    idx2 = _knn_idx(adv_t, adv_t, k + 1)
    nn_pts2 = jnp.transpose(_knn_gather(adv_t, idx2), (0, 3, 1, 2))[:, :, :, 1:]
    vectors2 = _normalize(nn_pts2 - input_curr_iter[:, :, :, None], axis=1)
    adv_kappa = jnp.mean(jnp.abs(jnp.sum(vectors2 * normal[:, :, :, None], axis=1)), axis=2)  # [b,n]
    # ---- curvature_loss ----
    idx3 = _knn_idx(adv_t, pc_t, 1)[:, :, 0]  # [b, n]
    onenn_ori_kappa = jnp.take_along_axis(kappa_ori, idx3, axis=1)
    curv_loss = 10.0 * jnp.mean((adv_kappa - onenn_ori_kappa) ** 2, axis=-1)  # [b]
    return curv_loss

if __name__ == "__main__":
    import jax
    _d = setup_inputs()
    print(jax.jit(kernel)(*tuple(_d.values())))

</pallas_src>

<mosaic_0001>
#map = affine_map<(d0, d1) -> (0, 0)>
module attributes {stable_mosaic.version = 14 : i64} {
  func.func @k(%arg0: i32, %arg1: i32, %arg2: memref<4x4096xf32, #tpu.memory_space<hbm>>, %arg3: memref<4x4096xf32, #tpu.memory_space<hbm>>, %arg4: memref<4x4096xf32, #tpu.memory_space<hbm>>, %arg5: memref<4x4096xf32, #tpu.memory_space<hbm>>, %arg6: memref<4x4096xf32, #tpu.memory_space<hbm>>, %arg7: memref<4x4096xf32, #tpu.memory_space<hbm>>, %arg8: memref<4x4096xf32, #tpu.memory_space<hbm>>, %arg9: memref<4x4096xi32, #tpu.memory_space<hbm>>, %arg10: memref<4x4096xi32, #tpu.memory_space<hbm>>, %arg11: memref<4x4096xi32, #tpu.memory_space<hbm>>, %arg12: memref<32x16xf32, #tpu.memory_space<hbm>>, %arg13: memref<4096xf32, #tpu.memory_space<vmem>>, %arg14: memref<4096xf32, #tpu.memory_space<vmem>>, %arg15: memref<4096xf32, #tpu.memory_space<vmem>>, %arg16: memref<4096xf32, #tpu.memory_space<vmem>>, %arg17: memref<4096xf32, #tpu.memory_space<vmem>>, %arg18: memref<4096xf32, #tpu.memory_space<vmem>>, %arg19: memref<4096xf32, #tpu.memory_space<vmem>>, %arg20: memref<512xi32, #tpu.memory_space<vmem>>, %arg21: memref<512xi32, #tpu.memory_space<vmem>>, %arg22: memref<512xi32, #tpu.memory_space<vmem>>, %arg23: memref<16xf32, #tpu.memory_space<vmem>>) attributes {dimension_semantics = [#tpu.dimension_semantics<core_parallel>, #tpu.dimension_semantics<subcore_parallel>], iteration_bounds = array<i64: 2, 16>, scalar_prefetch = 0 : i64, scratch_operands = 11 : i64, tpu.core_type = #tpu.core_type<sc_vector_subcore>, window_params = [{transform_indices = #map}, {transform_indices = #map}, {transform_indices = #map}, {transform_indices = #map}, {transform_indices = #map}, {transform_indices = #map}, {transform_indices = #map}, {transform_indices = #map}, {transform_indices = #map}, {transform_indices = #map}, {transform_indices = #map}]} {
    %mul3A = arith.constant 2 : i32
    %mul3A_0 = arith.muli %arg1, %mul3A : i32
    %add3A = arith.addi %mul3A_0, %arg0 : i32
    %jit3A = arith.constant 8 : i32
    %div3A = arith.divsi %add3A, %jit3A : i32
    %sign3A = arith.constant 0 : i32
    %sign3A_1 = arith.cmpi sgt, %add3A, %sign3A : i32
    %sign3A_2 = arith.extui %sign3A_1 : i1 to i32
    %sign3A_3 = arith.constant 0 : i32
    %sign3A_4 = arith.cmpi slt, %add3A, %sign3A_3 : i32
    %sign3A_5 = arith.extui %sign3A_4 : i1 to i32
    %sign3A_6 = arith.subi %sign3A_2, %sign3A_5 : i32
    %sign3A_7 = arith.constant 0 : i32
    %sign3A_8 = arith.cmpi sgt, %jit3A, %sign3A_7 : i32
    %sign3A_9 = arith.extui %sign3A_8 : i1 to i32
    %sign3A_10 = arith.constant 0 : i32
    %sign3A_11 = arith.cmpi slt, %jit3A, %sign3A_10 : i32
    %sign3A_12 = arith.extui %sign3A_11 : i1 to i32
    %sign3A_13 = arith.subi %sign3A_9, %sign3A_12 : i32
    %ne3A = arith.cmpi ne, %sign3A_6, %sign3A_13 : i32
    %rem3A = arith.remsi %add3A, %jit3A : i32
    %ne3A_14 = arith.constant 0 : i32
    %ne3A_15 = arith.cmpi ne, %rem3A, %ne3A_14 : i32
    %and3A = arith.andi %ne3A, %ne3A_15 : i1
    %sub3A = arith.constant 1 : i32
    %sub3A_16 = arith.subi %div3A, %sub3A : i32
    %select_n3A = arith.select %and3A, %sub3A_16, %div3A : i32
    %jit3A_17 = arith.constant 8 : i32
    %eq3A = arith.constant 0 : i32
    %eq3A_18 = arith.cmpi eq, %jit3A_17, %eq3A : i32
    %jit3A_19 = arith.constant 1 : i32
    %select_n3A_20 = arith.select %eq3A_18, %jit3A_19, %jit3A_17 : i32
    %rem3A_21 = arith.remsi %add3A, %select_n3A_20 : i32
    %ne3A_22 = arith.constant 0 : i32
    %ne3A_23 = arith.cmpi ne, %rem3A_21, %ne3A_22 : i32
    %lt3A = arith.constant 0 : i32
    %lt3A_24 = arith.cmpi slt, %rem3A_21, %lt3A : i32
    %lt3A_25 = arith.constant 0 : i32
    %lt3A_26 = arith.cmpi slt, %select_n3A_20, %lt3A_25 : i32
    %ne3A_27 = arith.xori %lt3A_24, %lt3A_26 : i1
    %and3A_28 = arith.andi %ne3A_27, %ne3A_23 : i1
    %add3A_29 = arith.addi %rem3A_21, %select_n3A_20 : i32
    %select_n3A_30 = arith.select %and3A_28, %add3A_29, %rem3A_21 : i32
    %mul3A_31 = arith.constant 512 : i32
    %mul3A_32 = arith.muli %select_n3A_30, %mul3A_31 : i32
    "tpu.region"() ({
      %run_scoped3A = tpu.sem_alloc : memref<!tpu.dma_semaphore, #tpu.memory_space<semaphore_mem>>
      %dma_start3A = arith.constant 0 : i32
      %dma_start3A_40 = tpu.memref_slice %arg2[%select_n3A, %dma_start3A] : memref<4x4096xf32, #tpu.memory_space<hbm>> -> memref<1x4096xf32, #tpu.memory_space<hbm>>
      %dma_start3A_41 = tpu.memref_squeeze %dma_start3A_40 : memref<1x4096xf32, #tpu.memory_space<hbm>> -> memref<4096xf32, #tpu.memory_space<hbm>>
      %dma_start3A_42 = arith.constant 0 : i32
      %dma_start3A_43 = tpu.memref_slice %arg2[%select_n3A, %dma_start3A_42] : memref<4x4096xf32, #tpu.memory_space<hbm>> -> memref<1x4096xf32, #tpu.memory_space<hbm>>
      %dma_start3A_44 = tpu.memref_squeeze %dma_start3A_43 : memref<1x4096xf32, #tpu.memory_space<hbm>> -> memref<4096xf32, #tpu.memory_space<hbm>>
      tpu.enqueue_dma source(%dma_start3A_44 : memref<4096xf32, #tpu.memory_space<hbm>>) target(%arg13 : memref<4096xf32, #tpu.memory_space<vmem>>) target_semaphore(%run_scoped3A : memref<!tpu.dma_semaphore, #tpu.memory_space<semaphore_mem>>)
      %dma_wait3A = arith.constant 0 : i32
      %dma_wait3A_45 = tpu.memref_slice %arg2[%select_n3A, %dma_wait3A] : memref<4x4096xf32, #tpu.memory_space<hbm>> -> memref<1x4096xf32, #tpu.memory_space<hbm>>
      %dma_wait3A_46 = tpu.memref_squeeze %dma_wait3A_45 : memref<1x4096xf32, #tpu.memory_space<hbm>> -> memref<4096xf32, #tpu.memory_space<hbm>>
      %dma_wait3A_47 = arith.constant 0 : i32
      %dma_wait3A_48 = tpu.memref_slice %arg2[%select_n3A, %dma_wait3A_47] : memref<4x4096xf32, #tpu.memory_space<hbm>> -> memref<1x4096xf32, #tpu.memory_space<hbm>>
      %dma_wait3A_49 = tpu.memref_squeeze %dma_wait3A_48 : memref<1x4096xf32, #tpu.memory_space<hbm>> -> memref<4096xf32, #tpu.memory_space<hbm>>
      tpu.wait_dma2 semaphore(%run_scoped3A : memref<!tpu.dma_semaphore, #tpu.memory_space<semaphore_mem>>) src(%dma_wait3A_49 : memref<4096xf32, #tpu.memory_space<hbm>>) dst(%arg13 : memref<4096xf32, #tpu.memory_space<vmem>>)
      tpu.yield
    }) : () -> ()
    "tpu.region"() ({
      %run_scoped3A = tpu.sem_alloc : memref<!tpu.dma_semaphore, #tpu.memory_space<semaphore_mem>>
      %dma_start3A = arith.constant 0 : i32
      %dma_start3A_40 = tpu.memref_slice %arg3[%select_n3A, %dma_start3A] : memref<4x4096xf32, #tpu.memory_space<hbm>> -> memref<1x4096xf32, #tpu.memory_space<hbm>>
      %dma_start3A_41 = tpu.memref_squeeze %dma_start3A_40 : memref<1x4096xf32, #tpu.memory_space<hbm>> -> memref<4096xf32, #tpu.memory_space<hbm>>
      %dma_start3A_42 = arith.constant 0 : i32
      %dma_start3A_43 = tpu.memref_slice %arg3[%select_n3A, %dma_start3A_42] : memref<4x4096xf32, #tpu.memory_space<hbm>> -> memref<1x4096xf32, #tpu.memory_space<hbm>>
      %dma_start3A_44 = tpu.memref_squeeze %dma_start3A_43 : memref<1x4096xf32, #tpu.memory_space<hbm>> -> memref<4096xf32, #tpu.memory_space<hbm>>
      tpu.enqueue_dma source(%dma_start3A_44 : memref<4096xf32, #tpu.memory_space<hbm>>) target(%arg14 : memref<4096xf32, #tpu.memory_space<vmem>>) target_semaphore(%run_scoped3A : memref<!tpu.dma_semaphore, #tpu.memory_space<semaphore_mem>>)
      %dma_wait3A = arith.constant 0 : i32
      %dma_wait3A_45 = tpu.memref_slice %arg3[%select_n3A, %dma_wait3A] : memref<4x4096xf32, #tpu.memory_space<hbm>> -> memref<1x4096xf32, #tpu.memory_space<hbm>>
      %dma_wait3A_46 = tpu.memref_squeeze %dma_wait3A_45 : memref<1x4096xf32, #tpu.memory_space<hbm>> -> memref<4096xf32, #tpu.memory_space<hbm>>
      %dma_wait3A_47 = arith.constant 0 : i32
      %dma_wait3A_48 = tpu.memref_slice %arg3[%select_n3A, %dma_wait3A_47] : memref<4x4096xf32, #tpu.memory_space<hbm>> -> memref<1x4096xf32, #tpu.memory_space<hbm>>
      %dma_wait3A_49 = tpu.memref_squeeze %dma_wait3A_48 : memref<1x4096xf32, #tpu.memory_space<hbm>> -> memref<4096xf32, #tpu.memory_space<hbm>>
      tpu.wait_dma2 semaphore(%run_scoped3A : memref<!tpu.dma_semaphore, #tpu.memory_space<semaphore_mem>>) src(%dma_wait3A_49 : memref<4096xf32, #tpu.memory_space<hbm>>) dst(%arg14 : memref<4096xf32, #tpu.memory_space<vmem>>)
      tpu.yield
    }) : () -> ()
    "tpu.region"() ({
      %run_scoped3A = tpu.sem_alloc : memref<!tpu.dma_semaphore, #tpu.memory_space<semaphore_mem>>
      %dma_start3A = arith.constant 0 : i32
      %dma_start3A_40 = tpu.memref_slice %arg4[%select_n3A, %dma_start3A] : memref<4x4096xf32, #tpu.memory_space<hbm>> -> memref<1x4096xf32, #tpu.memory_space<hbm>>
      %dma_start3A_41 = tpu.memref_squeeze %dma_start3A_40 : memref<1x4096xf32, #tpu.memory_space<hbm>> -> memref<4096xf32, #tpu.memory_space<hbm>>
      %dma_start3A_42 = arith.constant 0 : i32
      %dma_start3A_43 = tpu.memref_slice %arg4[%select_n3A, %dma_start3A_42] : memref<4x4096xf32, #tpu.memory_space<hbm>> -> memref<1x4096xf32, #tpu.memory_space<hbm>>
      %dma_start3A_44 = tpu.memref_squeeze %dma_start3A_43 : memref<1x4096xf32, #tpu.memory_space<hbm>> -> memref<4096xf32, #tpu.memory_space<hbm>>
      tpu.enqueue_dma source(%dma_start3A_44 : memref<4096xf32, #tpu.memory_space<hbm>>) target(%arg15 : memref<4096xf32, #tpu.memory_space<vmem>>) target_semaphore(%run_scoped3A : memref<!tpu.dma_semaphore, #tpu.memory_space<semaphore_mem>>)
      %dma_wait3A = arith.constant 0 : i32
      %dma_wait3A_45 = tpu.memref_slice %arg4[%select_n3A, %dma_wait3A] : memref<4x4096xf32, #tpu.memory_space<hbm>> -> memref<1x4096xf32, #tpu.memory_space<hbm>>
      %dma_wait3A_46 = tpu.memref_squeeze %dma_wait3A_45 : memref<1x4096xf32, #tpu.memory_space<hbm>> -> memref<4096xf32, #tpu.memory_space<hbm>>
      %dma_wait3A_47 = arith.constant 0 : i32
      %dma_wait3A_48 = tpu.memref_slice %arg4[%select_n3A, %dma_wait3A_47] : memref<4x4096xf32, #tpu.memory_space<hbm>> -> memref<1x4096xf32, #tpu.memory_space<hbm>>
      %dma_wait3A_49 = tpu.memref_squeeze %dma_wait3A_48 : memref<1x4096xf32, #tpu.memory_space<hbm>> -> memref<4096xf32, #tpu.memory_space<hbm>>
      tpu.wait_dma2 semaphore(%run_scoped3A : memref<!tpu.dma_semaphore, #tpu.memory_space<semaphore_mem>>) src(%dma_wait3A_49 : memref<4096xf32, #tpu.memory_space<hbm>>) dst(%arg15 : memref<4096xf32, #tpu.memory_space<vmem>>)
      tpu.yield
    }) : () -> ()
    "tpu.region"() ({
      %run_scoped3A = tpu.sem_alloc : memref<!tpu.dma_semaphore, #tpu.memory_space<semaphore_mem>>
      %dma_start3A = arith.constant 0 : i32
      %dma_start3A_40 = tpu.memref_slice %arg5[%select_n3A, %dma_start3A] : memref<4x4096xf32, #tpu.memory_space<hbm>> -> memref<1x4096xf32, #tpu.memory_space<hbm>>
      %dma_start3A_41 = tpu.memref_squeeze %dma_start3A_40 : memref<1x4096xf32, #tpu.memory_space<hbm>> -> memref<4096xf32, #tpu.memory_space<hbm>>
      %dma_start3A_42 = arith.constant 0 : i32
      %dma_start3A_43 = tpu.memref_slice %arg5[%select_n3A, %dma_start3A_42] : memref<4x4096xf32, #tpu.memory_space<hbm>> -> memref<1x4096xf32, #tpu.memory_space<hbm>>
      %dma_start3A_44 = tpu.memref_squeeze %dma_start3A_43 : memref<1x4096xf32, #tpu.memory_space<hbm>> -> memref<4096xf32, #tpu.memory_space<hbm>>
      tpu.enqueue_dma source(%dma_start3A_44 : memref<4096xf32, #tpu.memory_space<hbm>>) target(%arg16 : memref<4096xf32, #tpu.memory_space<vmem>>) target_semaphore(%run_scoped3A : memref<!tpu.dma_semaphore, #tpu.memory_space<semaphore_mem>>)
      %dma_wait3A = arith.constant 0 : i32
      %dma_wait3A_45 = tpu.memref_slice %arg5[%select_n3A, %dma_wait3A] : memref<4x4096xf32, #tpu.memory_space<hbm>> -> memref<1x4096xf32, #tpu.memory_space<hbm>>
      %dma_wait3A_46 = tpu.memref_squeeze %dma_wait3A_45 : memref<1x4096xf32, #tpu.memory_space<hbm>> -> memref<4096xf32, #tpu.memory_space<hbm>>
      %dma_wait3A_47 = arith.constant 0 : i32
      %dma_wait3A_48 = tpu.memref_slice %arg5[%select_n3A, %dma_wait3A_47] : memref<4x4096xf32, #tpu.memory_space<hbm>> -> memref<1x4096xf32, #tpu.memory_space<hbm>>
      %dma_wait3A_49 = tpu.memref_squeeze %dma_wait3A_48 : memref<1x4096xf32, #tpu.memory_space<hbm>> -> memref<4096xf32, #tpu.memory_space<hbm>>
      tpu.wait_dma2 semaphore(%run_scoped3A : memref<!tpu.dma_semaphore, #tpu.memory_space<semaphore_mem>>) src(%dma_wait3A_49 : memref<4096xf32, #tpu.memory_space<hbm>>) dst(%arg16 : memref<4096xf32, #tpu.memory_space<vmem>>)
      tpu.yield
    }) : () -> ()
    "tpu.region"() ({
      %run_scoped3A = tpu.sem_alloc : memref<!tpu.dma_semaphore, #tpu.memory_space<semaphore_mem>>
      %dma_start3A = arith.constant 0 : i32
      %dma_start3A_40 = tpu.memref_slice %arg6[%select_n3A, %dma_start3A] : memref<4x4096xf32, #tpu.memory_space<hbm>> -> memref<1x4096xf32, #tpu.memory_space<hbm>>
      %dma_start3A_41 = tpu.memref_squeeze %dma_start3A_40 : memref<1x4096xf32, #tpu.memory_space<hbm>> -> memref<4096xf32, #tpu.memory_space<hbm>>
      %dma_start3A_42 = arith.constant 0 : i32
      %dma_start3A_43 = tpu.memref_slice %arg6[%select_n3A, %dma_start3A_42] : memref<4x4096xf32, #tpu.memory_space<hbm>> -> memref<1x4096xf32, #tpu.memory_space<hbm>>
      %dma_start3A_44 = tpu.memref_squeeze %dma_start3A_43 : memref<1x4096xf32, #tpu.memory_space<hbm>> -> memref<4096xf32, #tpu.memory_space<hbm>>
      tpu.enqueue_dma source(%dma_start3A_44 : memref<4096xf32, #tpu.memory_space<hbm>>) target(%arg17 : memref<4096xf32, #tpu.memory_space<vmem>>) target_semaphore(%run_scoped3A : memref<!tpu.dma_semaphore, #tpu.memory_space<semaphore_mem>>)
      %dma_wait3A = arith.constant 0 : i32
      %dma_wait3A_45 = tpu.memref_slice %arg6[%select_n3A, %dma_wait3A] : memref<4x4096xf32, #tpu.memory_space<hbm>> -> memref<1x4096xf32, #tpu.memory_space<hbm>>
      %dma_wait3A_46 = tpu.memref_squeeze %dma_wait3A_45 : memref<1x4096xf32, #tpu.memory_space<hbm>> -> memref<4096xf32, #tpu.memory_space<hbm>>
      %dma_wait3A_47 = arith.constant 0 : i32
      %dma_wait3A_48 = tpu.memref_slice %arg6[%select_n3A, %dma_wait3A_47] : memref<4x4096xf32, #tpu.memory_space<hbm>> -> memref<1x4096xf32, #tpu.memory_space<hbm>>
      %dma_wait3A_49 = tpu.memref_squeeze %dma_wait3A_48 : memref<1x4096xf32, #tpu.memory_space<hbm>> -> memref<4096xf32, #tpu.memory_space<hbm>>
      tpu.wait_dma2 semaphore(%run_scoped3A : memref<!tpu.dma_semaphore, #tpu.memory_space<semaphore_mem>>) src(%dma_wait3A_49 : memref<4096xf32, #tpu.memory_space<hbm>>) dst(%arg17 : memref<4096xf32, #tpu.memory_space<vmem>>)
      tpu.yield
    }) : () -> ()
    "tpu.region"() ({
      %run_scoped3A = tpu.sem_alloc : memref<!tpu.dma_semaphore, #tpu.memory_space<semaphore_mem>>
      %dma_start3A = arith.constant 0 : i32
      %dma_start3A_40 = tpu.memref_slice %arg7[%select_n3A, %dma_start3A] : memref<4x4096xf32, #tpu.memory_space<hbm>> -> memref<1x4096xf32, #tpu.memory_space<hbm>>
      %dma_start3A_41 = tpu.memref_squeeze %dma_start3A_40 : memref<1x4096xf32, #tpu.memory_space<hbm>> -> memref<4096xf32, #tpu.memory_space<hbm>>
      %dma_start3A_42 = arith.constant 0 : i32
      %dma_start3A_43 = tpu.memref_slice %arg7[%select_n3A, %dma_start3A_42] : memref<4x4096xf32, #tpu.memory_space<hbm>> -> memref<1x4096xf32, #tpu.memory_space<hbm>>
      %dma_start3A_44 = tpu.memref_squeeze %dma_start3A_43 : memref<1x4096xf32, #tpu.memory_space<hbm>> -> memref<4096xf32, #tpu.memory_space<hbm>>
      tpu.enqueue_dma source(%dma_start3A_44 : memref<4096xf32, #tpu.memory_space<hbm>>) target(%arg18 : memref<4096xf32, #tpu.memory_space<vmem>>) target_semaphore(%run_scoped3A : memref<!tpu.dma_semaphore, #tpu.memory_space<semaphore_mem>>)
      %dma_wait3A = arith.constant 0 : i32
      %dma_wait3A_45 = tpu.memref_slice %arg7[%select_n3A, %dma_wait3A] : memref<4x4096xf32, #tpu.memory_space<hbm>> -> memref<1x4096xf32, #tpu.memory_space<hbm>>
      %dma_wait3A_46 = tpu.memref_squeeze %dma_wait3A_45 : memref<1x4096xf32, #tpu.memory_space<hbm>> -> memref<4096xf32, #tpu.memory_space<hbm>>
      %dma_wait3A_47 = arith.constant 0 : i32
      %dma_wait3A_48 = tpu.memref_slice %arg7[%select_n3A, %dma_wait3A_47] : memref<4x4096xf32, #tpu.memory_space<hbm>> -> memref<1x4096xf32, #tpu.memory_space<hbm>>
      %dma_wait3A_49 = tpu.memref_squeeze %dma_wait3A_48 : memref<1x4096xf32, #tpu.memory_space<hbm>> -> memref<4096xf32, #tpu.memory_space<hbm>>
      tpu.wait_dma2 semaphore(%run_scoped3A : memref<!tpu.dma_semaphore, #tpu.memory_space<semaphore_mem>>) src(%dma_wait3A_49 : memref<4096xf32, #tpu.memory_space<hbm>>) dst(%arg18 : memref<4096xf32, #tpu.memory_space<vmem>>)
      tpu.yield
    }) : () -> ()
    "tpu.region"() ({
      %run_scoped3A = tpu.sem_alloc : memref<!tpu.dma_semaphore, #tpu.memory_space<semaphore_mem>>
      %dma_start3A = arith.constant 0 : i32
      %dma_start3A_40 = tpu.memref_slice %arg8[%select_n3A, %dma_start3A] : memref<4x4096xf32, #tpu.memory_space<hbm>> -> memref<1x4096xf32, #tpu.memory_space<hbm>>
      %dma_start3A_41 = tpu.memref_squeeze %dma_start3A_40 : memref<1x4096xf32, #tpu.memory_space<hbm>> -> memref<4096xf32, #tpu.memory_space<hbm>>
      %dma_start3A_42 = arith.constant 0 : i32
      %dma_start3A_43 = tpu.memref_slice %arg8[%select_n3A, %dma_start3A_42] : memref<4x4096xf32, #tpu.memory_space<hbm>> -> memref<1x4096xf32, #tpu.memory_space<hbm>>
      %dma_start3A_44 = tpu.memref_squeeze %dma_start3A_43 : memref<1x4096xf32, #tpu.memory_space<hbm>> -> memref<4096xf32, #tpu.memory_space<hbm>>
      tpu.enqueue_dma source(%dma_start3A_44 : memref<4096xf32, #tpu.memory_space<hbm>>) target(%arg19 : memref<4096xf32, #tpu.memory_space<vmem>>) target_semaphore(%run_scoped3A : memref<!tpu.dma_semaphore, #tpu.memory_space<semaphore_mem>>)
      %dma_wait3A = arith.constant 0 : i32
      %dma_wait3A_45 = tpu.memref_slice %arg8[%select_n3A, %dma_wait3A] : memref<4x4096xf32, #tpu.memory_space<hbm>> -> memref<1x4096xf32, #tpu.memory_space<hbm>>
      %dma_wait3A_46 = tpu.memref_squeeze %dma_wait3A_45 : memref<1x4096xf32, #tpu.memory_space<hbm>> -> memref<4096xf32, #tpu.memory_space<hbm>>
      %dma_wait3A_47 = arith.constant 0 : i32
      %dma_wait3A_48 = tpu.memref_slice %arg8[%select_n3A, %dma_wait3A_47] : memref<4x4096xf32, #tpu.memory_space<hbm>> -> memref<1x4096xf32, #tpu.memory_space<hbm>>
      %dma_wait3A_49 = tpu.memref_squeeze %dma_wait3A_48 : memref<1x4096xf32, #tpu.memory_space<hbm>> -> memref<4096xf32, #tpu.memory_space<hbm>>
      tpu.wait_dma2 semaphore(%run_scoped3A : memref<!tpu.dma_semaphore, #tpu.memory_space<semaphore_mem>>) src(%dma_wait3A_49 : memref<4096xf32, #tpu.memory_space<hbm>>) dst(%arg19 : memref<4096xf32, #tpu.memory_space<vmem>>)
      tpu.yield
    }) : () -> ()
    "tpu.region"() ({
      %run_scoped3A = tpu.sem_alloc : memref<!tpu.dma_semaphore, #tpu.memory_space<semaphore_mem>>
      %dma_start3A = tpu.memref_slice %arg9[%select_n3A, %mul3A_32] : memref<4x4096xi32, #tpu.memory_space<hbm>> -> memref<1x512xi32, #tpu.memory_space<hbm>>
      %dma_start3A_40 = tpu.memref_squeeze %dma_start3A : memref<1x512xi32, #tpu.memory_space<hbm>> -> memref<512xi32, #tpu.memory_space<hbm>>
      %dma_start3A_41 = tpu.memref_slice %arg9[%select_n3A, %mul3A_32] : memref<4x4096xi32, #tpu.memory_space<hbm>> -> memref<1x512xi32, #tpu.memory_space<hbm>>
      %dma_start3A_42 = tpu.memref_squeeze %dma_start3A_41 : memref<1x512xi32, #tpu.memory_space<hbm>> -> memref<512xi32, #tpu.memory_space<hbm>>
      tpu.enqueue_dma source(%dma_start3A_42 : memref<512xi32, #tpu.memory_space<hbm>>) target(%arg20 : memref<512xi32, #tpu.memory_space<vmem>>) target_semaphore(%run_scoped3A : memref<!tpu.dma_semaphore, #tpu.memory_space<semaphore_mem>>)
      %dma_wait3A = tpu.memref_slice %arg9[%select_n3A, %mul3A_32] : memref<4x4096xi32, #tpu.memory_space<hbm>> -> memref<1x512xi32, #tpu.memory_space<hbm>>
      %dma_wait3A_43 = tpu.memref_squeeze %dma_wait3A : memref<1x512xi32, #tpu.memory_space<hbm>> -> memref<512xi32, #tpu.memory_space<hbm>>
      %dma_wait3A_44 = tpu.memref_slice %arg9[%select_n3A, %mul3A_32] : memref<4x4096xi32, #tpu.memory_space<hbm>> -> memref<1x512xi32, #tpu.memory_space<hbm>>
      %dma_wait3A_45 = tpu.memref_squeeze %dma_wait3A_44 : memref<1x512xi32, #tpu.memory_space<hbm>> -> memref<512xi32, #tpu.memory_space<hbm>>
      tpu.wait_dma2 semaphore(%run_scoped3A : memref<!tpu.dma_semaphore, #tpu.memory_space<semaphore_mem>>) src(%dma_wait3A_45 : memref<512xi32, #tpu.memory_space<hbm>>) dst(%arg20 : memref<512xi32, #tpu.memory_space<vmem>>)
      tpu.yield
    }) : () -> ()
    "tpu.region"() ({
      %run_scoped3A = tpu.sem_alloc : memref<!tpu.dma_semaphore, #tpu.memory_space<semaphore_mem>>
      %dma_start3A = tpu.memref_slice %arg10[%select_n3A, %mul3A_32] : memref<4x4096xi32, #tpu.memory_space<hbm>> -> memref<1x512xi32, #tpu.memory_space<hbm>>
      %dma_start3A_40 = tpu.memref_squeeze %dma_start3A : memref<1x512xi32, #tpu.memory_space<hbm>> -> memref<512xi32, #tpu.memory_space<hbm>>
      %dma_start3A_41 = tpu.memref_slice %arg10[%select_n3A, %mul3A_32] : memref<4x4096xi32, #tpu.memory_space<hbm>> -> memref<1x512xi32, #tpu.memory_space<hbm>>
      %dma_start3A_42 = tpu.memref_squeeze %dma_start3A_41 : memref<1x512xi32, #tpu.memory_space<hbm>> -> memref<512xi32, #tpu.memory_space<hbm>>
      tpu.enqueue_dma source(%dma_start3A_42 : memref<512xi32, #tpu.memory_space<hbm>>) target(%arg21 : memref<512xi32, #tpu.memory_space<vmem>>) target_semaphore(%run_scoped3A : memref<!tpu.dma_semaphore, #tpu.memory_space<semaphore_mem>>)
      %dma_wait3A = tpu.memref_slice %arg10[%select_n3A, %mul3A_32] : memref<4x4096xi32, #tpu.memory_space<hbm>> -> memref<1x512xi32, #tpu.memory_space<hbm>>
      %dma_wait3A_43 = tpu.memref_squeeze %dma_wait3A : memref<1x512xi32, #tpu.memory_space<hbm>> -> memref<512xi32, #tpu.memory_space<hbm>>
      %dma_wait3A_44 = tpu.memref_slice %arg10[%select_n3A, %mul3A_32] : memref<4x4096xi32, #tpu.memory_space<hbm>> -> memref<1x512xi32, #tpu.memory_space<hbm>>
      %dma_wait3A_45 = tpu.memref_squeeze %dma_wait3A_44 : memref<1x512xi32, #tpu.memory_space<hbm>> -> memref<512xi32, #tpu.memory_space<hbm>>
      tpu.wait_dma2 semaphore(%run_scoped3A : memref<!tpu.dma_semaphore, #tpu.memory_space<semaphore_mem>>) src(%dma_wait3A_45 : memref<512xi32, #tpu.memory_space<hbm>>) dst(%arg21 : memref<512xi32, #tpu.memory_space<vmem>>)
      tpu.yield
    }) : () -> ()
    "tpu.region"() ({
      %run_scoped3A = tpu.sem_alloc : memref<!tpu.dma_semaphore, #tpu.memory_space<semaphore_mem>>
      %dma_start3A = tpu.memref_slice %arg11[%select_n3A, %mul3A_32] : memref<4x4096xi32, #tpu.memory_space<hbm>> -> memref<1x512xi32, #tpu.memory_space<hbm>>
      %dma_start3A_40 = tpu.memref_squeeze %dma_start3A : memref<1x512xi32, #tpu.memory_space<hbm>> -> memref<512xi32, #tpu.memory_space<hbm>>
      %dma_start3A_41 = tpu.memref_slice %arg11[%select_n3A, %mul3A_32] : memref<4x4096xi32, #tpu.memory_space<hbm>> -> memref<1x512xi32, #tpu.memory_space<hbm>>
      %dma_start3A_42 = tpu.memref_squeeze %dma_start3A_41 : memref<1x512xi32, #tpu.memory_space<hbm>> -> memref<512xi32, #tpu.memory_space<hbm>>
      tpu.enqueue_dma source(%dma_start3A_42 : memref<512xi32, #tpu.memory_space<hbm>>) target(%arg22 : memref<512xi32, #tpu.memory_space<vmem>>) target_semaphore(%run_scoped3A : memref<!tpu.dma_semaphore, #tpu.memory_space<semaphore_mem>>)
      %dma_wait3A = tpu.memref_slice %arg11[%select_n3A, %mul3A_32] : memref<4x4096xi32, #tpu.memory_space<hbm>> -> memref<1x512xi32, #tpu.memory_space<hbm>>
      %dma_wait3A_43 = tpu.memref_squeeze %dma_wait3A : memref<1x512xi32, #tpu.memory_space<hbm>> -> memref<512xi32, #tpu.memory_space<hbm>>
      %dma_wait3A_44 = tpu.memref_slice %arg11[%select_n3A, %mul3A_32] : memref<4x4096xi32, #tpu.memory_space<hbm>> -> memref<1x512xi32, #tpu.memory_space<hbm>>
      %dma_wait3A_45 = tpu.memref_squeeze %dma_wait3A_44 : memref<1x512xi32, #tpu.memory_space<hbm>> -> memref<512xi32, #tpu.memory_space<hbm>>
      tpu.wait_dma2 semaphore(%run_scoped3A : memref<!tpu.dma_semaphore, #tpu.memory_space<semaphore_mem>>) src(%dma_wait3A_45 : memref<512xi32, #tpu.memory_space<hbm>>) dst(%arg22 : memref<512xi32, #tpu.memory_space<vmem>>)
      tpu.yield
    }) : () -> ()
    %broadcast_in_dim3A = arith.constant 0.000000e+00 : f32
    %broadcast_in_dim3A_33 = vector.broadcast %broadcast_in_dim3A : f32 to vector<16xf32>
    %scan3A = arith.constant 0 : i32
    %scan3A_34 = arith.constant 32 : i32
    %scan3A_35 = arith.addi %scan3A, %scan3A_34 : i32
    %scan3A_36 = arith.constant 1 : i32
    %scan3A_37 = scf.for %scan3A_40 = %scan3A to %scan3A_35 step %scan3A_36 iter_args(%scan3A_41 = %broadcast_in_dim3A_33) -> (vector<16xf32>)  : i32 {
      %mul3A_42 = arith.constant 16 : i32
      %mul3A_43 = arith.muli %scan3A_40, %mul3A_42 : i32
      %mul3A_44 = arith.constant 16 : i32
      %mul3A_45 = arith.muli %scan3A_40, %mul3A_44 : i32
      %add3A_46 = arith.addi %mul3A_32, %mul3A_45 : i32
      %get3A = arith.index_cast %add3A_46 : i32 to index
      %get3A_47 = tpu.vector_load %arg13[%get3A] {strides = array<i32>} : memref<4096xf32, #tpu.memory_space<vmem>>, vector<16xf32>,
      %get3A_48 = arith.index_cast %add3A_46 : i32 to index
      %get3A_49 = tpu.vector_load %arg14[%get3A_48] {strides = array<i32>} : memref<4096xf32, #tpu.memory_space<vmem>>, vector<16xf32>,
      %get3A_50 = arith.index_cast %add3A_46 : i32 to index
      %get3A_51 = tpu.vector_load %arg15[%get3A_50] {strides = array<i32>} : memref<4096xf32, #tpu.memory_space<vmem>>, vector<16xf32>,
      %get3A_52 = arith.index_cast %mul3A_43 : i32 to index
      %get3A_53 = tpu.vector_load %arg22[%get3A_52] {strides = array<i32>} : memref<512xi32, #tpu.memory_space<vmem>>, vector<16xi32>,
      %gather3A = tpu.vector_load_idx %arg16[%get3A_53] : memref<4096xf32, #tpu.memory_space<vmem>>[vector<16xi32>], vector<16xf32>,
      %gather3A_54 = tpu.vector_load_idx %arg17[%get3A_53] : memref<4096xf32, #tpu.memory_space<vmem>>[vector<16xi32>], vector<16xf32>,
      %gather3A_55 = tpu.vector_load_idx %arg18[%get3A_53] : memref<4096xf32, #tpu.memory_space<vmem>>[vector<16xi32>], vector<16xf32>,
      %broadcast_in_dim3A_56 = arith.constant 0.000000e+00 : f32
      %broadcast_in_dim3A_57 = vector.broadcast %broadcast_in_dim3A_56 : f32 to vector<16xf32>
      %get3A_58 = arith.index_cast %mul3A_43 : i32 to index
      %get3A_59 = tpu.vector_load %arg20[%get3A_58] {strides = array<i32>} : memref<512xi32, #tpu.memory_space<vmem>>, vector<16xi32>,
      %get3A_60 = arith.index_cast %mul3A_43 : i32 to index
      %get3A_61 = tpu.vector_load %arg21[%get3A_60] {strides = array<i32>} : memref<512xi32, #tpu.memory_space<vmem>>, vector<16xi32>,
      %gather3A_62 = tpu.vector_load_idx %arg13[%get3A_59] : memref<4096xf32, #tpu.memory_space<vmem>>[vector<16xi32>], vector<16xf32>,
      %sub3A_63 = arith.subf %gather3A_62, %get3A_47 : vector<16xf32>
      %gather3A_64 = tpu.vector_load_idx %arg14[%get3A_59] : memref<4096xf32, #tpu.memory_space<vmem>>[vector<16xi32>], vector<16xf32>,
      %sub3A_65 = arith.subf %gather3A_64, %get3A_49 : vector<16xf32>
      %gather3A_66 = tpu.vector_load_idx %arg15[%get3A_59] : memref<4096xf32, #tpu.memory_space<vmem>>[vector<16xi32>], vector<16xf32>,
      %sub3A_67 = arith.subf %gather3A_66, %get3A_51 : vector<16xf32>
      %mul3A_68 = arith.mulf %sub3A_63, %sub3A_63 : vector<16xf32>
      %mul3A_69 = arith.mulf %sub3A_65, %sub3A_65 : vector<16xf32>
      %add3A_70 = arith.addf %mul3A_68, %mul3A_69 : vector<16xf32>
      %mul3A_71 = arith.mulf %sub3A_67, %sub3A_67 : vector<16xf32>
      %add3A_72 = arith.addf %add3A_70, %mul3A_71 : vector<16xf32>
      %bitcast3A = vector.bitcast %add3A_72 : vector<16xf32> to vector<16xi32>
      %shift_right_arithmetic3A = arith.constant 1 : i32
      %shift_right_arithmetic3A_73 = vector.broadcast %shift_right_arithmetic3A : i32 to vector<16xi32>
      %shift_right_arithmetic3A_74 = arith.shrsi %bitcast3A, %shift_right_arithmetic3A_73 : vector<16xi32>
      %sub3A_75 = arith.constant 1597463007 : i32
      %sub3A_76 = vector.broadcast %sub3A_75 : i32 to vector<16xi32>
      %sub3A_77 = arith.subi %sub3A_76, %shift_right_arithmetic3A_74 : vector<16xi32>
      %bitcast3A_78 = vector.bitcast %sub3A_77 : vector<16xi32> to vector<16xf32>
      %mul3A_79 = arith.constant 5.000000e-01 : f32
      %mul3A_80 = vector.broadcast %mul3A_79 : f32 to vector<16xf32>
      %mul3A_81 = arith.mulf %mul3A_80, %add3A_72 : vector<16xf32>
      %mul3A_82 = arith.mulf %mul3A_81, %bitcast3A_78 : vector<16xf32>
      %mul3A_83 = arith.mulf %mul3A_82, %bitcast3A_78 : vector<16xf32>
      %sub3A_84 = arith.constant 1.500000e+00 : f32
      %sub3A_85 = vector.broadcast %sub3A_84 : f32 to vector<16xf32>
      %sub3A_86 = arith.subf %sub3A_85, %mul3A_83 : vector<16xf32>
      %mul3A_87 = arith.mulf %bitcast3A_78, %sub3A_86 : vector<16xf32>
      %mul3A_88 = arith.constant 5.000000e-01 : f32
      %mul3A_89 = vector.broadcast %mul3A_88 : f32 to vector<16xf32>
      %mul3A_90 = arith.mulf %mul3A_89, %add3A_72 : vector<16xf32>
      %mul3A_91 = arith.mulf %mul3A_90, %mul3A_87 : vector<16xf32>
      %mul3A_92 = arith.mulf %mul3A_91, %mul3A_87 : vector<16xf32>
      %sub3A_93 = arith.constant 1.500000e+00 : f32
      %sub3A_94 = vector.broadcast %sub3A_93 : f32 to vector<16xf32>
      %sub3A_95 = arith.subf %sub3A_94, %mul3A_92 : vector<16xf32>
      %mul3A_96 = arith.mulf %mul3A_87, %sub3A_95 : vector<16xf32>
      %mul3A_97 = arith.constant 5.000000e-01 : f32
      %mul3A_98 = vector.broadcast %mul3A_97 : f32 to vector<16xf32>
      %mul3A_99 = arith.mulf %mul3A_98, %add3A_72 : vector<16xf32>
      %mul3A_100 = arith.mulf %mul3A_99, %mul3A_96 : vector<16xf32>
      %mul3A_101 = arith.mulf %mul3A_100, %mul3A_96 : vector<16xf32>
      %sub3A_102 = arith.constant 1.500000e+00 : f32
      %sub3A_103 = vector.broadcast %sub3A_102 : f32 to vector<16xf32>
      %sub3A_104 = arith.subf %sub3A_103, %mul3A_101 : vector<16xf32>
      %mul3A_105 = arith.mulf %mul3A_96, %sub3A_104 : vector<16xf32>
      %mul3A_106 = arith.mulf %sub3A_63, %gather3A : vector<16xf32>
      %mul3A_107 = arith.mulf %sub3A_65, %gather3A_54 : vector<16xf32>
      %add3A_108 = arith.addf %mul3A_106, %mul3A_107 : vector<16xf32>
      %mul3A_109 = arith.mulf %sub3A_67, %gather3A_55 : vector<16xf32>
      %add3A_110 = arith.addf %add3A_108, %mul3A_109 : vector<16xf32>
      %abs3A = math.absf %add3A_110 : vector<16xf32>
      %mul3A_111 = arith.mulf %abs3A, %mul3A_105 : vector<16xf32>
      %add3A_112 = arith.addf %broadcast_in_dim3A_57, %mul3A_111 : vector<16xf32>
      %gather3A_113 = tpu.vector_load_idx %arg13[%get3A_61] : memref<4096xf32, #tpu.memory_space<vmem>>[vector<16xi32>], vector<16xf32>,
      %sub3A_114 = arith.subf %gather3A_113, %get3A_47 : vector<16xf32>
      %gather3A_115 = tpu.vector_load_idx %arg14[%get3A_61] : memref<4096xf32, #tpu.memory_space<vmem>>[vector<16xi32>], vector<16xf32>,
      %sub3A_116 = arith.subf %gather3A_115, %get3A_49 : vector<16xf32>
      %gather3A_117 = tpu.vector_load_idx %arg15[%get3A_61] : memref<4096xf32, #tpu.memory_space<vmem>>[vector<16xi32>], vector<16xf32>,
      %sub3A_118 = arith.subf %gather3A_117, %get3A_51 : vector<16xf32>
      %mul3A_119 = arith.mulf %sub3A_114, %sub3A_114 : vector<16xf32>
      %mul3A_120 = arith.mulf %sub3A_116, %sub3A_116 : vector<16xf32>
      %add3A_121 = arith.addf %mul3A_119, %mul3A_120 : vector<16xf32>
      %mul3A_122 = arith.mulf %sub3A_118, %sub3A_118 : vector<16xf32>
      %add3A_123 = arith.addf %add3A_121, %mul3A_122 : vector<16xf32>
      %bitcast3A_124 = vector.bitcast %add3A_123 : vector<16xf32> to vector<16xi32>
      %shift_right_arithmetic3A_125 = arith.constant 1 : i32
      %shift_right_arithmetic3A_126 = vector.broadcast %shift_right_arithmetic3A_125 : i32 to vector<16xi32>
      %shift_right_arithmetic3A_127 = arith.shrsi %bitcast3A_124, %shift_right_arithmetic3A_126 : vector<16xi32>
      %sub3A_128 = arith.constant 1597463007 : i32
      %sub3A_129 = vector.broadcast %sub3A_128 : i32 to vector<16xi32>
      %sub3A_130 = arith.subi %sub3A_129, %shift_right_arithmetic3A_127 : vector<16xi32>
      %bitcast3A_131 = vector.bitcast %sub3A_130 : vector<16xi32> to vector<16xf32>
      %mul3A_132 = arith.constant 5.000000e-01 : f32
      %mul3A_133 = vector.broadcast %mul3A_132 : f32 to vector<16xf32>
      %mul3A_134 = arith.mulf %mul3A_133, %add3A_123 : vector<16xf32>
      %mul3A_135 = arith.mulf %mul3A_134, %bitcast3A_131 : vector<16xf32>
      %mul3A_136 = arith.mulf %mul3A_135, %bitcast3A_131 : vector<16xf32>
      %sub3A_137 = arith.constant 1.500000e+00 : f32
      %sub3A_138 = vector.broadcast %sub3A_137 : f32 to vector<16xf32>
      %sub3A_139 = arith.subf %sub3A_138, %mul3A_136 : vector<16xf32>
      %mul3A_140 = arith.mulf %bitcast3A_131, %sub3A_139 : vector<16xf32>
      %mul3A_141 = arith.constant 5.000000e-01 : f32
      %mul3A_142 = vector.broadcast %mul3A_141 : f32 to vector<16xf32>
      %mul3A_143 = arith.mulf %mul3A_142, %add3A_123 : vector<16xf32>
      %mul3A_144 = arith.mulf %mul3A_143, %mul3A_140 : vector<16xf32>
      %mul3A_145 = arith.mulf %mul3A_144, %mul3A_140 : vector<16xf32>
      %sub3A_146 = arith.constant 1.500000e+00 : f32
      %sub3A_147 = vector.broadcast %sub3A_146 : f32 to vector<16xf32>
      %sub3A_148 = arith.subf %sub3A_147, %mul3A_145 : vector<16xf32>
      %mul3A_149 = arith.mulf %mul3A_140, %sub3A_148 : vector<16xf32>
      %mul3A_150 = arith.constant 5.000000e-01 : f32
      %mul3A_151 = vector.broadcast %mul3A_150 : f32 to vector<16xf32>
      %mul3A_152 = arith.mulf %mul3A_151, %add3A_123 : vector<16xf32>
      %mul3A_153 = arith.mulf %mul3A_152, %mul3A_149 : vector<16xf32>
      %mul3A_154 = arith.mulf %mul3A_153, %mul3A_149 : vector<16xf32>
      %sub3A_155 = arith.constant 1.500000e+00 : f32
      %sub3A_156 = vector.broadcast %sub3A_155 : f32 to vector<16xf32>
      %sub3A_157 = arith.subf %sub3A_156, %mul3A_154 : vector<16xf32>
      %mul3A_158 = arith.mulf %mul3A_149, %sub3A_157 : vector<16xf32>
      %mul3A_159 = arith.mulf %sub3A_114, %gather3A : vector<16xf32>
      %mul3A_160 = arith.mulf %sub3A_116, %gather3A_54 : vector<16xf32>
      %add3A_161 = arith.addf %mul3A_159, %mul3A_160 : vector<16xf32>
      %mul3A_162 = arith.mulf %sub3A_118, %gather3A_55 : vector<16xf32>
      %add3A_163 = arith.addf %add3A_161, %mul3A_162 : vector<16xf32>
      %abs3A_164 = math.absf %add3A_163 : vector<16xf32>
      %mul3A_165 = arith.mulf %abs3A_164, %mul3A_158 : vector<16xf32>
      %add3A_166 = arith.addf %add3A_112, %mul3A_165 : vector<16xf32>
      %mul3A_167 = arith.constant 5.000000e-01 : f32
      %mul3A_168 = vector.broadcast %mul3A_167 : f32 to vector<16xf32>
      %mul3A_169 = arith.mulf %mul3A_168, %add3A_166 : vector<16xf32>
      %gather3A_170 = tpu.vector_load_idx %arg19[%get3A_53] : memref<4096xf32, #tpu.memory_space<vmem>>[vector<16xi32>], vector<16xf32>,
      %sub3A_171 = arith.subf %mul3A_169, %gather3A_170 : vector<16xf32>
      %mul3A_172 = arith.mulf %sub3A_171, %sub3A_171 : vector<16xf32>
      %add3A_173 = arith.addf %scan3A_41, %mul3A_172 : vector<16xf32>
      scf.yield %add3A_173 : vector<16xf32>
    }
    %scan3A_38 = arith.constant 32 : i32
    %swap3A = arith.constant 0 : index
    %swap3A_39 = tpu.vector_load %arg23[%swap3A] {strides = array<i32>} : memref<16xf32, #tpu.memory_space<vmem>>, vector<16xf32>,
    tpu.vector_store %arg23[%swap3A], %scan3A_37 {strides = array<i32>} : memref<16xf32, #tpu.memory_space<vmem>>, vector<16xf32>,
    "tpu.region"() ({
      %run_scoped3A = tpu.sem_alloc : memref<!tpu.dma_semaphore, #tpu.memory_space<semaphore_mem>>
      %dma_start3A = arith.constant 0 : i32
      %dma_start3A_40 = tpu.memref_slice %arg12[%add3A, %dma_start3A] : memref<32x16xf32, #tpu.memory_space<hbm>> -> memref<1x16xf32, #tpu.memory_space<hbm>>
      %dma_start3A_41 = tpu.memref_squeeze %dma_start3A_40 : memref<1x16xf32, #tpu.memory_space<hbm>> -> memref<16xf32, #tpu.memory_space<hbm>>
      %dma_start3A_42 = arith.constant 0 : i32
      %dma_start3A_43 = tpu.memref_slice %arg12[%add3A, %dma_start3A_42] : memref<32x16xf32, #tpu.memory_space<hbm>> -> memref<1x16xf32, #tpu.memory_space<hbm>>
      %dma_start3A_44 = tpu.memref_squeeze %dma_start3A_43 : memref<1x16xf32, #tpu.memory_space<hbm>> -> memref<16xf32, #tpu.memory_space<hbm>>
      tpu.enqueue_dma source(%arg23 : memref<16xf32, #tpu.memory_space<vmem>>) target(%dma_start3A_44 : memref<16xf32, #tpu.memory_space<hbm>>) target_semaphore(%run_scoped3A : memref<!tpu.dma_semaphore, #tpu.memory_space<semaphore_mem>>)
      %dma_wait3A = arith.constant 0 : i32
      %dma_wait3A_45 = tpu.memref_slice %arg12[%add3A, %dma_wait3A] : memref<32x16xf32, #tpu.memory_space<hbm>> -> memref<1x16xf32, #tpu.memory_space<hbm>>
      %dma_wait3A_46 = tpu.memref_squeeze %dma_wait3A_45 : memref<1x16xf32, #tpu.memory_space<hbm>> -> memref<16xf32, #tpu.memory_space<hbm>>
      %dma_wait3A_47 = arith.constant 0 : i32
      %dma_wait3A_48 = tpu.memref_slice %arg12[%add3A, %dma_wait3A_47] : memref<32x16xf32, #tpu.memory_space<hbm>> -> memref<1x16xf32, #tpu.memory_space<hbm>>
      %dma_wait3A_49 = tpu.memref_squeeze %dma_wait3A_48 : memref<1x16xf32, #tpu.memory_space<hbm>> -> memref<16xf32, #tpu.memory_space<hbm>>
      tpu.wait_dma2 semaphore(%run_scoped3A : memref<!tpu.dma_semaphore, #tpu.memory_space<semaphore_mem>>) src(%arg23 : memref<16xf32, #tpu.memory_space<vmem>>) dst(%dma_wait3A_49 : memref<16xf32, #tpu.memory_space<hbm>>)
      tpu.yield
    }) : () -> ()
    return
  }
}

#map = affine_map<(d0, d1) -> (0, 0)>
module attributes {stable_mosaic.version = 14 : i64} {
  func.func @k(%arg0: i32, %arg1: i32, %arg2: memref<4x4096xf32, #tpu.memory_space<hbm>>, %arg3: memref<4x4096xf32, #tpu.memory_space<hbm>>, %arg4: memref<4x4096xf32, #tpu.memory_space<hbm>>, %arg5: memref<4x4096xf32, #tpu.memory_space<hbm>>, %arg6: memref<4x4096xf32, #tpu.memory_space<hbm>>, %arg7: memref<4x4096xf32, #tpu.memory_space<hbm>>, %arg8: memref<4x4096xi32, #tpu.memory_space<hbm>>, %arg9: memref<4x4096xi32, #tpu.memory_space<hbm>>, %arg10: memref<4x4096xf32, #tpu.memory_space<hbm>>, %arg11: memref<4096xf32, #tpu.memory_space<vmem>>, %arg12: memref<4096xf32, #tpu.memory_space<vmem>>, %arg13: memref<4096xf32, #tpu.memory_space<vmem>>, %arg14: memref<512xf32, #tpu.memory_space<vmem>>, %arg15: memref<512xf32, #tpu.memory_space<vmem>>, %arg16: memref<512xf32, #tpu.memory_space<vmem>>, %arg17: memref<512xi32, #tpu.memory_space<vmem>>, %arg18: memref<512xi32, #tpu.memory_space<vmem>>, %arg19: memref<512xf32, #tpu.memory_space<vmem>>) attributes {dimension_semantics = [#tpu.dimension_semantics<core_parallel>, #tpu.dimension_semantics<subcore_parallel>], iteration_bounds = array<i64: 2, 16>, scalar_prefetch = 0 : i64, scratch_operands = 9 : i64, tpu.core_type = #tpu.core_type<sc_vector_subcore>, window_params = [{transform_indices = #map}, {transform_indices = #map}, {transform_indices = #map}, {transform_indices = #map}, {transform_indices = #map}, {transform_indices = #map}, {transform_indices = #map}, {transform_indices = #map}, {transform_indices = #map}]} {
    %mul3A = arith.constant 2 : i32
    %mul3A_0 = arith.muli %arg1, %mul3A : i32
    %add3A = arith.addi %mul3A_0, %arg0 : i32
    %jit3A = arith.constant 8 : i32
    %div3A = arith.divsi %add3A, %jit3A : i32
    %sign3A = arith.constant 0 : i32
    %sign3A_1 = arith.cmpi sgt, %add3A, %sign3A : i32
    %sign3A_2 = arith.extui %sign3A_1 : i1 to i32
    %sign3A_3 = arith.constant 0 : i32
    %sign3A_4 = arith.cmpi slt, %add3A, %sign3A_3 : i32
    %sign3A_5 = arith.extui %sign3A_4 : i1 to i32
    %sign3A_6 = arith.subi %sign3A_2, %sign3A_5 : i32
    %sign3A_7 = arith.constant 0 : i32
    %sign3A_8 = arith.cmpi sgt, %jit3A, %sign3A_7 : i32
    %sign3A_9 = arith.extui %sign3A_8 : i1 to i32
    %sign3A_10 = arith.constant 0 : i32
    %sign3A_11 = arith.cmpi slt, %jit3A, %sign3A_10 : i32
    %sign3A_12 = arith.extui %sign3A_11 : i1 to i32
    %sign3A_13 = arith.subi %sign3A_9, %sign3A_12 : i32
    %ne3A = arith.cmpi ne, %sign3A_6, %sign3A_13 : i32
    %rem3A = arith.remsi %add3A, %jit3A : i32
    %ne3A_14 = arith.constant 0 : i32
    %ne3A_15 = arith.cmpi ne, %rem3A, %ne3A_14 : i32
    %and3A = arith.andi %ne3A, %ne3A_15 : i1
    %sub3A = arith.constant 1 : i32
    %sub3A_16 = arith.subi %div3A, %sub3A : i32
    %select_n3A = arith.select %and3A, %sub3A_16, %div3A : i32
    %jit3A_17 = arith.constant 8 : i32
    %eq3A = arith.constant 0 : i32
    %eq3A_18 = arith.cmpi eq, %jit3A_17, %eq3A : i32
    %jit3A_19 = arith.constant 1 : i32
    %select_n3A_20 = arith.select %eq3A_18, %jit3A_19, %jit3A_17 : i32
    %rem3A_21 = arith.remsi %add3A, %select_n3A_20 : i32
    %ne3A_22 = arith.constant 0 : i32
    %ne3A_23 = arith.cmpi ne, %rem3A_21, %ne3A_22 : i32
    %lt3A = arith.constant 0 : i32
    %lt3A_24 = arith.cmpi slt, %rem3A_21, %lt3A : i32
    %lt3A_25 = arith.constant 0 : i32
    %lt3A_26 = arith.cmpi slt, %select_n3A_20, %lt3A_25 : i32
    %ne3A_27 = arith.xori %lt3A_24, %lt3A_26 : i1
    %and3A_28 = arith.andi %ne3A_27, %ne3A_23 : i1
    %add3A_29 = arith.addi %rem3A_21, %select_n3A_20 : i32
    %select_n3A_30 = arith.select %and3A_28, %add3A_29, %rem3A_21 : i32
    %mul3A_31 = arith.constant 512 : i32
    %mul3A_32 = arith.muli %select_n3A_30, %mul3A_31 : i32
    "tpu.region"() ({
      %run_scoped3A = tpu.sem_alloc : memref<!tpu.dma_semaphore, #tpu.memory_space<semaphore_mem>>
      %dma_start3A = arith.constant 0 : i32
      %dma_start3A_38 = tpu.memref_slice %arg2[%select_n3A, %dma_start3A] : memref<4x4096xf32, #tpu.memory_space<hbm>> -> memref<1x4096xf32, #tpu.memory_space<hbm>>
      %dma_start3A_39 = tpu.memref_squeeze %dma_start3A_38 : memref<1x4096xf32, #tpu.memory_space<hbm>> -> memref<4096xf32, #tpu.memory_space<hbm>>
      %dma_start3A_40 = arith.constant 0 : i32
      %dma_start3A_41 = tpu.memref_slice %arg2[%select_n3A, %dma_start3A_40] : memref<4x4096xf32, #tpu.memory_space<hbm>> -> memref<1x4096xf32, #tpu.memory_space<hbm>>
      %dma_start3A_42 = tpu.memref_squeeze %dma_start3A_41 : memref<1x4096xf32, #tpu.memory_space<hbm>> -> memref<4096xf32, #tpu.memory_space<hbm>>
      tpu.enqueue_dma source(%dma_start3A_42 : memref<4096xf32, #tpu.memory_space<hbm>>) target(%arg11 : memref<4096xf32, #tpu.memory_space<vmem>>) target_semaphore(%run_scoped3A : memref<!tpu.dma_semaphore, #tpu.memory_space<semaphore_mem>>)
      %dma_wait3A = arith.constant 0 : i32
      %dma_wait3A_43 = tpu.memref_slice %arg2[%select_n3A, %dma_wait3A] : memref<4x4096xf32, #tpu.memory_space<hbm>> -> memref<1x4096xf32, #tpu.memory_space<hbm>>
      %dma_wait3A_44 = tpu.memref_squeeze %dma_wait3A_43 : memref<1x4096xf32, #tpu.memory_space<hbm>> -> memref<4096xf32, #tpu.memory_space<hbm>>
      %dma_wait3A_45 = arith.constant 0 : i32
      %dma_wait3A_46 = tpu.memref_slice %arg2[%select_n3A, %dma_wait3A_45] : memref<4x4096xf32, #tpu.memory_space<hbm>> -> memref<1x4096xf32, #tpu.memory_space<hbm>>
      %dma_wait3A_47 = tpu.memref_squeeze %dma_wait3A_46 : memref<1x4096xf32, #tpu.memory_space<hbm>> -> memref<4096xf32, #tpu.memory_space<hbm>>
      tpu.wait_dma2 semaphore(%run_scoped3A : memref<!tpu.dma_semaphore, #tpu.memory_space<semaphore_mem>>) src(%dma_wait3A_47 : memref<4096xf32, #tpu.memory_space<hbm>>) dst(%arg11 : memref<4096xf32, #tpu.memory_space<vmem>>)
      tpu.yield
    }) : () -> ()
    "tpu.region"() ({
      %run_scoped3A = tpu.sem_alloc : memref<!tpu.dma_semaphore, #tpu.memory_space<semaphore_mem>>
      %dma_start3A = arith.constant 0 : i32
      %dma_start3A_38 = tpu.memref_slice %arg3[%select_n3A, %dma_start3A] : memref<4x4096xf32, #tpu.memory_space<hbm>> -> memref<1x4096xf32, #tpu.memory_space<hbm>>
      %dma_start3A_39 = tpu.memref_squeeze %dma_start3A_38 : memref<1x4096xf32, #tpu.memory_space<hbm>> -> memref<4096xf32, #tpu.memory_space<hbm>>
      %dma_start3A_40 = arith.constant 0 : i32
      %dma_start3A_41 = tpu.memref_slice %arg3[%select_n3A, %dma_start3A_40] : memref<4x4096xf32, #tpu.memory_space<hbm>> -> memref<1x4096xf32, #tpu.memory_space<hbm>>
      %dma_start3A_42 = tpu.memref_squeeze %dma_start3A_41 : memref<1x4096xf32, #tpu.memory_space<hbm>> -> memref<4096xf32, #tpu.memory_space<hbm>>
      tpu.enqueue_dma source(%dma_start3A_42 : memref<4096xf32, #tpu.memory_space<hbm>>) target(%arg12 : memref<4096xf32, #tpu.memory_space<vmem>>) target_semaphore(%run_scoped3A : memref<!tpu.dma_semaphore, #tpu.memory_space<semaphore_mem>>)
      %dma_wait3A = arith.constant 0 : i32
      %dma_wait3A_43 = tpu.memref_slice %arg3[%select_n3A, %dma_wait3A] : memref<4x4096xf32, #tpu.memory_space<hbm>> -> memref<1x4096xf32, #tpu.memory_space<hbm>>
      %dma_wait3A_44 = tpu.memref_squeeze %dma_wait3A_43 : memref<1x4096xf32, #tpu.memory_space<hbm>> -> memref<4096xf32, #tpu.memory_space<hbm>>
      %dma_wait3A_45 = arith.constant 0 : i32
      %dma_wait3A_46 = tpu.memref_slice %arg3[%select_n3A, %dma_wait3A_45] : memref<4x4096xf32, #tpu.memory_space<hbm>> -> memref<1x4096xf32, #tpu.memory_space<hbm>>
      %dma_wait3A_47 = tpu.memref_squeeze %dma_wait3A_46 : memref<1x4096xf32, #tpu.memory_space<hbm>> -> memref<4096xf32, #tpu.memory_space<hbm>>
      tpu.wait_dma2 semaphore(%run_scoped3A : memref<!tpu.dma_semaphore, #tpu.memory_space<semaphore_mem>>) src(%dma_wait3A_47 : memref<4096xf32, #tpu.memory_space<hbm>>) dst(%arg12 : memref<4096xf32, #tpu.memory_space<vmem>>)
      tpu.yield
    }) : () -> ()
    "tpu.region"() ({
      %run_scoped3A = tpu.sem_alloc : memref<!tpu.dma_semaphore, #tpu.memory_space<semaphore_mem>>
      %dma_start3A = arith.constant 0 : i32
      %dma_start3A_38 = tpu.memref_slice %arg4[%select_n3A, %dma_start3A] : memref<4x4096xf32, #tpu.memory_space<hbm>> -> memref<1x4096xf32, #tpu.memory_space<hbm>>
      %dma_start3A_39 = tpu.memref_squeeze %dma_start3A_38 : memref<1x4096xf32, #tpu.memory_space<hbm>> -> memref<4096xf32, #tpu.memory_space<hbm>>
      %dma_start3A_40 = arith.constant 0 : i32
      %dma_start3A_41 = tpu.memref_slice %arg4[%select_n3A, %dma_start3A_40] : memref<4x4096xf32, #tpu.memory_space<hbm>> -> memref<1x4096xf32, #tpu.memory_space<hbm>>
      %dma_start3A_42 = tpu.memref_squeeze %dma_start3A_41 : memref<1x4096xf32, #tpu.memory_space<hbm>> -> memref<4096xf32, #tpu.memory_space<hbm>>
      tpu.enqueue_dma source(%dma_start3A_42 : memref<4096xf32, #tpu.memory_space<hbm>>) target(%arg13 : memref<4096xf32, #tpu.memory_space<vmem>>) target_semaphore(%run_scoped3A : memref<!tpu.dma_semaphore, #tpu.memory_space<semaphore_mem>>)
      %dma_wait3A = arith.constant 0 : i32
      %dma_wait3A_43 = tpu.memref_slice %arg4[%select_n3A, %dma_wait3A] : memref<4x4096xf32, #tpu.memory_space<hbm>> -> memref<1x4096xf32, #tpu.memory_space<hbm>>
      %dma_wait3A_44 = tpu.memref_squeeze %dma_wait3A_43 : memref<1x4096xf32, #tpu.memory_space<hbm>> -> memref<4096xf32, #tpu.memory_space<hbm>>
      %dma_wait3A_45 = arith.constant 0 : i32
      %dma_wait3A_46 = tpu.memref_slice %arg4[%select_n3A, %dma_wait3A_45] : memref<4x4096xf32, #tpu.memory_space<hbm>> -> memref<1x4096xf32, #tpu.memory_space<hbm>>
      %dma_wait3A_47 = tpu.memref_squeeze %dma_wait3A_46 : memref<1x4096xf32, #tpu.memory_space<hbm>> -> memref<4096xf32, #tpu.memory_space<hbm>>
      tpu.wait_dma2 semaphore(%run_scoped3A : memref<!tpu.dma_semaphore, #tpu.memory_space<semaphore_mem>>) src(%dma_wait3A_47 : memref<4096xf32, #tpu.memory_space<hbm>>) dst(%arg13 : memref<4096xf32, #tpu.memory_space<vmem>>)
      tpu.yield
    }) : () -> ()
    "tpu.region"() ({
      %run_scoped3A = tpu.sem_alloc : memref<!tpu.dma_semaphore, #tpu.memory_space<semaphore_mem>>
      %dma_start3A = tpu.memref_slice %arg5[%select_n3A, %mul3A_32] : memref<4x4096xf32, #tpu.memory_space<hbm>> -> memref<1x512xf32, #tpu.memory_space<hbm>>
      %dma_start3A_38 = tpu.memref_squeeze %dma_start3A : memref<1x512xf32, #tpu.memory_space<hbm>> -> memref<512xf32, #tpu.memory_space<hbm>>
      %dma_start3A_39 = tpu.memref_slice %arg5[%select_n3A, %mul3A_32] : memref<4x4096xf32, #tpu.memory_space<hbm>> -> memref<1x512xf32, #tpu.memory_space<hbm>>
      %dma_start3A_40 = tpu.memref_squeeze %dma_start3A_39 : memref<1x512xf32, #tpu.memory_space<hbm>> -> memref<512xf32, #tpu.memory_space<hbm>>
      tpu.enqueue_dma source(%dma_start3A_40 : memref<512xf32, #tpu.memory_space<hbm>>) target(%arg14 : memref<512xf32, #tpu.memory_space<vmem>>) target_semaphore(%run_scoped3A : memref<!tpu.dma_semaphore, #tpu.memory_space<semaphore_mem>>)
      %dma_wait3A = tpu.memref_slice %arg5[%select_n3A, %mul3A_32] : memref<4x4096xf32, #tpu.memory_space<hbm>> -> memref<1x512xf32, #tpu.memory_space<hbm>>
      %dma_wait3A_41 = tpu.memref_squeeze %dma_wait3A : memref<1x512xf32, #tpu.memory_space<hbm>> -> memref<512xf32, #tpu.memory_space<hbm>>
      %dma_wait3A_42 = tpu.memref_slice %arg5[%select_n3A, %mul3A_32] : memref<4x4096xf32, #tpu.memory_space<hbm>> -> memref<1x512xf32, #tpu.memory_space<hbm>>
      %dma_wait3A_43 = tpu.memref_squeeze %dma_wait3A_42 : memref<1x512xf32, #tpu.memory_space<hbm>> -> memref<512xf32, #tpu.memory_space<hbm>>
      tpu.wait_dma2 semaphore(%run_scoped3A : memref<!tpu.dma_semaphore, #tpu.memory_space<semaphore_mem>>) src(%dma_wait3A_43 : memref<512xf32, #tpu.memory_space<hbm>>) dst(%arg14 : memref<512xf32, #tpu.memory_space<vmem>>)
      tpu.yield
    }) : () -> ()
    "tpu.region"() ({
      %run_scoped3A = tpu.sem_alloc : memref<!tpu.dma_semaphore, #tpu.memory_space<semaphore_mem>>
      %dma_start3A = tpu.memref_slice %arg6[%select_n3A, %mul3A_32] : memref<4x4096xf32, #tpu.memory_space<hbm>> -> memref<1x512xf32, #tpu.memory_space<hbm>>
      %dma_start3A_38 = tpu.memref_squeeze %dma_start3A : memref<1x512xf32, #tpu.memory_space<hbm>> -> memref<512xf32, #tpu.memory_space<hbm>>
      %dma_start3A_39 = tpu.memref_slice %arg6[%select_n3A, %mul3A_32] : memref<4x4096xf32, #tpu.memory_space<hbm>> -> memref<1x512xf32, #tpu.memory_space<hbm>>
      %dma_start3A_40 = tpu.memref_squeeze %dma_start3A_39 : memref<1x512xf32, #tpu.memory_space<hbm>> -> memref<512xf32, #tpu.memory_space<hbm>>
      tpu.enqueue_dma source(%dma_start3A_40 : memref<512xf32, #tpu.memory_space<hbm>>) target(%arg15 : memref<512xf32, #tpu.memory_space<vmem>>) target_semaphore(%run_scoped3A : memref<!tpu.dma_semaphore, #tpu.memory_space<semaphore_mem>>)
      %dma_wait3A = tpu.memref_slice %arg6[%select_n3A, %mul3A_32] : memref<4x4096xf32, #tpu.memory_space<hbm>> -> memref<1x512xf32, #tpu.memory_space<hbm>>
      %dma_wait3A_41 = tpu.memref_squeeze %dma_wait3A : memref<1x512xf32, #tpu.memory_space<hbm>> -> memref<512xf32, #tpu.memory_space<hbm>>
      %dma_wait3A_42 = tpu.memref_slice %arg6[%select_n3A, %mul3A_32] : memref<4x4096xf32, #tpu.memory_space<hbm>> -> memref<1x512xf32, #tpu.memory_space<hbm>>
      %dma_wait3A_43 = tpu.memref_squeeze %dma_wait3A_42 : memref<1x512xf32, #tpu.memory_space<hbm>> -> memref<512xf32, #tpu.memory_space<hbm>>
      tpu.wait_dma2 semaphore(%run_scoped3A : memref<!tpu.dma_semaphore, #tpu.memory_space<semaphore_mem>>) src(%dma_wait3A_43 : memref<512xf32, #tpu.memory_space<hbm>>) dst(%arg15 : memref<512xf32, #tpu.memory_space<vmem>>)
      tpu.yield
    }) : () -> ()
    "tpu.region"() ({
      %run_scoped3A = tpu.sem_alloc : memref<!tpu.dma_semaphore, #tpu.memory_space<semaphore_mem>>
      %dma_start3A = tpu.memref_slice %arg7[%select_n3A, %mul3A_32] : memref<4x4096xf32, #tpu.memory_space<hbm>> -> memref<1x512xf32, #tpu.memory_space<hbm>>
      %dma_start3A_38 = tpu.memref_squeeze %dma_start3A : memref<1x512xf32, #tpu.memory_space<hbm>> -> memref<512xf32, #tpu.memory_space<hbm>>
      %dma_start3A_39 = tpu.memref_slice %arg7[%select_n3A, %mul3A_32] : memref<4x4096xf32, #tpu.memory_space<hbm>> -> memref<1x512xf32, #tpu.memory_space<hbm>>
      %dma_start3A_40 = tpu.memref_squeeze %dma_start3A_39 : memref<1x512xf32, #tpu.memory_space<hbm>> -> memref<512xf32, #tpu.memory_space<hbm>>
      tpu.enqueue_dma source(%dma_start3A_40 : memref<512xf32, #tpu.memory_space<hbm>>) target(%arg16 : memref<512xf32, #tpu.memory_space<vmem>>) target_semaphore(%run_scoped3A : memref<!tpu.dma_semaphore, #tpu.memory_space<semaphore_mem>>)
      %dma_wait3A = tpu.memref_slice %arg7[%select_n3A, %mul3A_32] : memref<4x4096xf32, #tpu.memory_space<hbm>> -> memref<1x512xf32, #tpu.memory_space<hbm>>
      %dma_wait3A_41 = tpu.memref_squeeze %dma_wait3A : memref<1x512xf32, #tpu.memory_space<hbm>> -> memref<512xf32, #tpu.memory_space<hbm>>
      %dma_wait3A_42 = tpu.memref_slice %arg7[%select_n3A, %mul3A_32] : memref<4x4096xf32, #tpu.memory_space<hbm>> -> memref<1x512xf32, #tpu.memory_space<hbm>>
      %dma_wait3A_43 = tpu.memref_squeeze %dma_wait3A_42 : memref<1x512xf32, #tpu.memory_space<hbm>> -> memref<512xf32, #tpu.memory_space<hbm>>
      tpu.wait_dma2 semaphore(%run_scoped3A : memref<!tpu.dma_semaphore, #tpu.memory_space<semaphore_mem>>) src(%dma_wait3A_43 : memref<512xf32, #tpu.memory_space<hbm>>) dst(%arg16 : memref<512xf32, #tpu.memory_space<vmem>>)
      tpu.yield
    }) : () -> ()
    "tpu.region"() ({
      %run_scoped3A = tpu.sem_alloc : memref<!tpu.dma_semaphore, #tpu.memory_space<semaphore_mem>>
      %dma_start3A = tpu.memref_slice %arg8[%select_n3A, %mul3A_32] : memref<4x4096xi32, #tpu.memory_space<hbm>> -> memref<1x512xi32, #tpu.memory_space<hbm>>
      %dma_start3A_38 = tpu.memref_squeeze %dma_start3A : memref<1x512xi32, #tpu.memory_space<hbm>> -> memref<512xi32, #tpu.memory_space<hbm>>
      %dma_start3A_39 = tpu.memref_slice %arg8[%select_n3A, %mul3A_32] : memref<4x4096xi32, #tpu.memory_space<hbm>> -> memref<1x512xi32, #tpu.memory_space<hbm>>
      %dma_start3A_40 = tpu.memref_squeeze %dma_start3A_39 : memref<1x512xi32, #tpu.memory_space<hbm>> -> memref<512xi32, #tpu.memory_space<hbm>>
      tpu.enqueue_dma source(%dma_start3A_40 : memref<512xi32, #tpu.memory_space<hbm>>) target(%arg17 : memref<512xi32, #tpu.memory_space<vmem>>) target_semaphore(%run_scoped3A : memref<!tpu.dma_semaphore, #tpu.memory_space<semaphore_mem>>)
      %dma_wait3A = tpu.memref_slice %arg8[%select_n3A, %mul3A_32] : memref<4x4096xi32, #tpu.memory_space<hbm>> -> memref<1x512xi32, #tpu.memory_space<hbm>>
      %dma_wait3A_41 = tpu.memref_squeeze %dma_wait3A : memref<1x512xi32, #tpu.memory_space<hbm>> -> memref<512xi32, #tpu.memory_space<hbm>>
      %dma_wait3A_42 = tpu.memref_slice %arg8[%select_n3A, %mul3A_32] : memref<4x4096xi32, #tpu.memory_space<hbm>> -> memref<1x512xi32, #tpu.memory_space<hbm>>
      %dma_wait3A_43 = tpu.memref_squeeze %dma_wait3A_42 : memref<1x512xi32, #tpu.memory_space<hbm>> -> memref<512xi32, #tpu.memory_space<hbm>>
      tpu.wait_dma2 semaphore(%run_scoped3A : memref<!tpu.dma_semaphore, #tpu.memory_space<semaphore_mem>>) src(%dma_wait3A_43 : memref<512xi32, #tpu.memory_space<hbm>>) dst(%arg17 : memref<512xi32, #tpu.memory_space<vmem>>)
      tpu.yield
    }) : () -> ()
    "tpu.region"() ({
      %run_scoped3A = tpu.sem_alloc : memref<!tpu.dma_semaphore, #tpu.memory_space<semaphore_mem>>
      %dma_start3A = tpu.memref_slice %arg9[%select_n3A, %mul3A_32] : memref<4x4096xi32, #tpu.memory_space<hbm>> -> memref<1x512xi32, #tpu.memory_space<hbm>>
      %dma_start3A_38 = tpu.memref_squeeze %dma_start3A : memref<1x512xi32, #tpu.memory_space<hbm>> -> memref<512xi32, #tpu.memory_space<hbm>>
      %dma_start3A_39 = tpu.memref_slice %arg9[%select_n3A, %mul3A_32] : memref<4x4096xi32, #tpu.memory_space<hbm>> -> memref<1x512xi32, #tpu.memory_space<hbm>>
      %dma_start3A_40 = tpu.memref_squeeze %dma_start3A_39 : memref<1x512xi32, #tpu.memory_space<hbm>> -> memref<512xi32, #tpu.memory_space<hbm>>
      tpu.enqueue_dma source(%dma_start3A_40 : memref<512xi32, #tpu.memory_space<hbm>>) target(%arg18 : memref<512xi32, #tpu.memory_space<vmem>>) target_semaphore(%run_scoped3A : memref<!tpu.dma_semaphore, #tpu.memory_space<semaphore_mem>>)
      %dma_wait3A = tpu.memref_slice %arg9[%select_n3A, %mul3A_32] : memref<4x4096xi32, #tpu.memory_space<hbm>> -> memref<1x512xi32, #tpu.memory_space<hbm>>
      %dma_wait3A_41 = tpu.memref_squeeze %dma_wait3A : memref<1x512xi32, #tpu.memory_space<hbm>> -> memref<512xi32, #tpu.memory_space<hbm>>
      %dma_wait3A_42 = tpu.memref_slice %arg9[%select_n3A, %mul3A_32] : memref<4x4096xi32, #tpu.memory_space<hbm>> -> memref<1x512xi32, #tpu.memory_space<hbm>>
      %dma_wait3A_43 = tpu.memref_squeeze %dma_wait3A_42 : memref<1x512xi32, #tpu.memory_space<hbm>> -> memref<512xi32, #tpu.memory_space<hbm>>
      tpu.wait_dma2 semaphore(%run_scoped3A : memref<!tpu.dma_semaphore, #tpu.memory_space<semaphore_mem>>) src(%dma_wait3A_43 : memref<512xi32, #tpu.memory_space<hbm>>) dst(%arg18 : memref<512xi32, #tpu.memory_space<vmem>>)
      tpu.yield
    }) : () -> ()
    %scan3A = arith.constant 0 : i32
    %scan3A_33 = arith.constant 0 : i32
    %scan3A_34 = arith.constant 32 : i32
    %scan3A_35 = arith.addi %scan3A_33, %scan3A_34 : i32
    %scan3A_36 = arith.constant 1 : i32
    scf.for %scan3A_38 = %scan3A_33 to %scan3A_35 step %scan3A_36  : i32 {
      %mul3A_39 = arith.constant 16 : i32
      %mul3A_40 = arith.muli %scan3A_38, %mul3A_39 : i32
      %mul3A_41 = arith.constant 16 : i32
      %mul3A_42 = arith.muli %scan3A_38, %mul3A_41 : i32
      %add3A_43 = arith.addi %mul3A_32, %mul3A_42 : i32
      %get3A = arith.index_cast %add3A_43 : i32 to index
      %get3A_44 = tpu.vector_load %arg11[%get3A] {strides = array<i32>} : memref<4096xf32, #tpu.memory_space<vmem>>, vector<16xf32>,
      %get3A_45 = arith.index_cast %add3A_43 : i32 to index
      %get3A_46 = tpu.vector_load %arg12[%get3A_45] {strides = array<i32>} : memref<4096xf32, #tpu.memory_space<vmem>>, vector<16xf32>,
      %get3A_47 = arith.index_cast %add3A_43 : i32 to index
      %get3A_48 = tpu.vector_load %arg13[%get3A_47] {strides = array<i32>} : memref<4096xf32, #tpu.memory_space<vmem>>, vector<16xf32>,
      %get3A_49 = arith.index_cast %mul3A_40 : i32 to index
      %get3A_50 = tpu.vector_load %arg14[%get3A_49] {strides = array<i32>} : memref<512xf32, #tpu.memory_space<vmem>>, vector<16xf32>,
      %get3A_51 = arith.index_cast %mul3A_40 : i32 to index
      %get3A_52 = tpu.vector_load %arg15[%get3A_51] {strides = array<i32>} : memref<512xf32, #tpu.memory_space<vmem>>, vector<16xf32>,
      %get3A_53 = arith.index_cast %mul3A_40 : i32 to index
      %get3A_54 = tpu.vector_load %arg16[%get3A_53] {strides = array<i32>} : memref<512xf32, #tpu.memory_space<vmem>>, vector<16xf32>,
      %broadcast_in_dim3A = arith.constant 0.000000e+00 : f32
      %broadcast_in_dim3A_55 = vector.broadcast %broadcast_in_dim3A : f32 to vector<16xf32>
      %get3A_56 = arith.index_cast %mul3A_40 : i32 to index
      %get3A_57 = tpu.vector_load %arg17[%get3A_56] {strides = array<i32>} : memref<512xi32, #tpu.memory_space<vmem>>, vector<16xi32>,
      %get3A_58 = arith.index_cast %mul3A_40 : i32 to index
      %get3A_59 = tpu.vector_load %arg18[%get3A_58] {strides = array<i32>} : memref<512xi32, #tpu.memory_space<vmem>>, vector<16xi32>,
      %gather3A = tpu.vector_load_idx %arg11[%get3A_57] : memref<4096xf32, #tpu.memory_space<vmem>>[vector<16xi32>], vector<16xf32>,
      %sub3A_60 = arith.subf %gather3A, %get3A_44 : vector<16xf32>
      %gather3A_61 = tpu.vector_load_idx %arg12[%get3A_57] : memref<4096xf32, #tpu.memory_space<vmem>>[vector<16xi32>], vector<16xf32>,
      %sub3A_62 = arith.subf %gather3A_61, %get3A_46 : vector<16xf32>
      %gather3A_63 = tpu.vector_load_idx %arg13[%get3A_57] : memref<4096xf32, #tpu.memory_space<vmem>>[vector<16xi32>], vector<16xf32>,
      %sub3A_64 = arith.subf %gather3A_63, %get3A_48 : vector<16xf32>
      %mul3A_65 = arith.mulf %sub3A_60, %sub3A_60 : vector<16xf32>
      %mul3A_66 = arith.mulf %sub3A_62, %sub3A_62 : vector<16xf32>
      %add3A_67 = arith.addf %mul3A_65, %mul3A_66 : vector<16xf32>
      %mul3A_68 = arith.mulf %sub3A_64, %sub3A_64 : vector<16xf32>
      %add3A_69 = arith.addf %add3A_67, %mul3A_68 : vector<16xf32>
      %bitcast3A = vector.bitcast %add3A_69 : vector<16xf32> to vector<16xi32>
      %shift_right_arithmetic3A = arith.constant 1 : i32
      %shift_right_arithmetic3A_70 = vector.broadcast %shift_right_arithmetic3A : i32 to vector<16xi32>
      %shift_right_arithmetic3A_71 = arith.shrsi %bitcast3A, %shift_right_arithmetic3A_70 : vector<16xi32>
      %sub3A_72 = arith.constant 1597463007 : i32
      %sub3A_73 = vector.broadcast %sub3A_72 : i32 to vector<16xi32>
      %sub3A_74 = arith.subi %sub3A_73, %shift_right_arithmetic3A_71 : vector<16xi32>
      %bitcast3A_75 = vector.bitcast %sub3A_74 : vector<16xi32> to vector<16xf32>
      %mul3A_76 = arith.constant 5.000000e-01 : f32
      %mul3A_77 = vector.broadcast %mul3A_76 : f32 to vector<16xf32>
      %mul3A_78 = arith.mulf %mul3A_77, %add3A_69 : vector<16xf32>
      %mul3A_79 = arith.mulf %mul3A_78, %bitcast3A_75 : vector<16xf32>
      %mul3A_80 = arith.mulf %mul3A_79, %bitcast3A_75 : vector<16xf32>
      %sub3A_81 = arith.constant 1.500000e+00 : f32
      %sub3A_82 = vector.broadcast %sub3A_81 : f32 to vector<16xf32>
      %sub3A_83 = arith.subf %sub3A_82, %mul3A_80 : vector<16xf32>
      %mul3A_84 = arith.mulf %bitcast3A_75, %sub3A_83 : vector<16xf32>
      %mul3A_85 = arith.constant 5.000000e-01 : f32
      %mul3A_86 = vector.broadcast %mul3A_85 : f32 to vector<16xf32>
      %mul3A_87 = arith.mulf %mul3A_86, %add3A_69 : vector<16xf32>
      %mul3A_88 = arith.mulf %mul3A_87, %mul3A_84 : vector<16xf32>
      %mul3A_89 = arith.mulf %mul3A_88, %mul3A_84 : vector<16xf32>
      %sub3A_90 = arith.constant 1.500000e+00 : f32
      %sub3A_91 = vector.broadcast %sub3A_90 : f32 to vector<16xf32>
      %sub3A_92 = arith.subf %sub3A_91, %mul3A_89 : vector<16xf32>
      %mul3A_93 = arith.mulf %mul3A_84, %sub3A_92 : vector<16xf32>
      %mul3A_94 = arith.constant 5.000000e-01 : f32
      %mul3A_95 = vector.broadcast %mul3A_94 : f32 to vector<16xf32>
      %mul3A_96 = arith.mulf %mul3A_95, %add3A_69 : vector<16xf32>
      %mul3A_97 = arith.mulf %mul3A_96, %mul3A_93 : vector<16xf32>
      %mul3A_98 = arith.mulf %mul3A_97, %mul3A_93 : vector<16xf32>
      %sub3A_99 = arith.constant 1.500000e+00 : f32
      %sub3A_100 = vector.broadcast %sub3A_99 : f32 to vector<16xf32>
      %sub3A_101 = arith.subf %sub3A_100, %mul3A_98 : vector<16xf32>
      %mul3A_102 = arith.mulf %mul3A_93, %sub3A_101 : vector<16xf32>
      %mul3A_103 = arith.mulf %sub3A_60, %get3A_50 : vector<16xf32>
      %mul3A_104 = arith.mulf %sub3A_62, %get3A_52 : vector<16xf32>
      %add3A_105 = arith.addf %mul3A_103, %mul3A_104 : vector<16xf32>
      %mul3A_106 = arith.mulf %sub3A_64, %get3A_54 : vector<16xf32>
      %add3A_107 = arith.addf %add3A_105, %mul3A_106 : vector<16xf32>
      %abs3A = math.absf %add3A_107 : vector<16xf32>
      %mul3A_108 = arith.mulf %abs3A, %mul3A_102 : vector<16xf32>
      %add3A_109 = arith.addf %broadcast_in_dim3A_55, %mul3A_108 : vector<16xf32>
      %gather3A_110 = tpu.vector_load_idx %arg11[%get3A_59] : memref<4096xf32, #tpu.memory_space<vmem>>[vector<16xi32>], vector<16xf32>,
      %sub3A_111 = arith.subf %gather3A_110, %get3A_44 : vector<16xf32>
      %gather3A_112 = tpu.vector_load_idx %arg12[%get3A_59] : memref<4096xf32, #tpu.memory_space<vmem>>[vector<16xi32>], vector<16xf32>,
      %sub3A_113 = arith.subf %gather3A_112, %get3A_46 : vector<16xf32>
      %gather3A_114 = tpu.vector_load_idx %arg13[%get3A_59] : memref<4096xf32, #tpu.memory_space<vmem>>[vector<16xi32>], vector<16xf32>,
      %sub3A_115 = arith.subf %gather3A_114, %get3A_48 : vector<16xf32>
      %mul3A_116 = arith.mulf %sub3A_111, %sub3A_111 : vector<16xf32>
      %mul3A_117 = arith.mulf %sub3A_113, %sub3A_113 : vector<16xf32>
      %add3A_118 = arith.addf %mul3A_116, %mul3A_117 : vector<16xf32>
      %mul3A_119 = arith.mulf %sub3A_115, %sub3A_115 : vector<16xf32>
      %add3A_120 = arith.addf %add3A_118, %mul3A_119 : vector<16xf32>
      %bitcast3A_121 = vector.bitcast %add3A_120 : vector<16xf32> to vector<16xi32>
      %shift_right_arithmetic3A_122 = arith.constant 1 : i32
      %shift_right_arithmetic3A_123 = vector.broadcast %shift_right_arithmetic3A_122 : i32 to vector<16xi32>
      %shift_right_arithmetic3A_124 = arith.shrsi %bitcast3A_121, %shift_right_arithmetic3A_123 : vector<16xi32>
      %sub3A_125 = arith.constant 1597463007 : i32
      %sub3A_126 = vector.broadcast %sub3A_125 : i32 to vector<16xi32>
      %sub3A_127 = arith.subi %sub3A_126, %shift_right_arithmetic3A_124 : vector<16xi32>
      %bitcast3A_128 = vector.bitcast %sub3A_127 : vector<16xi32> to vector<16xf32>
      %mul3A_129 = arith.constant 5.000000e-01 : f32
      %mul3A_130 = vector.broadcast %mul3A_129 : f32 to vector<16xf32>
      %mul3A_131 = arith.mulf %mul3A_130, %add3A_120 : vector<16xf32>
      %mul3A_132 = arith.mulf %mul3A_131, %bitcast3A_128 : vector<16xf32>
      %mul3A_133 = arith.mulf %mul3A_132, %bitcast3A_128 : vector<16xf32>
      %sub3A_134 = arith.constant 1.500000e+00 : f32
      %sub3A_135 = vector.broadcast %sub3A_134 : f32 to vector<16xf32>
      %sub3A_136 = arith.subf %sub3A_135, %mul3A_133 : vector<16xf32>
      %mul3A_137 = arith.mulf %bitcast3A_128, %sub3A_136 : vector<16xf32>
      %mul3A_138 = arith.constant 5.000000e-01 : f32
      %mul3A_139 = vector.broadcast %mul3A_138 : f32 to vector<16xf32>
      %mul3A_140 = arith.mulf %mul3A_139, %add3A_120 : vector<16xf32>
      %mul3A_141 = arith.mulf %mul3A_140, %mul3A_137 : vector<16xf32>
      %mul3A_142 = arith.mulf %mul3A_141, %mul3A_137 : vector<16xf32>
      %sub3A_143 = arith.constant 1.500000e+00 : f32
      %sub3A_144 = vector.broadcast %sub3A_143 : f32 to vector<16xf32>
      %sub3A_145 = arith.subf %sub3A_144, %mul3A_142 : vector<16xf32>
      %mul3A_146 = arith.mulf %mul3A_137, %sub3A_145 : vector<16xf32>
      %mul3A_147 = arith.constant 5.000000e-01 : f32
      %mul3A_148 = vector.broadcast %mul3A_147 : f32 to vector<16xf32>
      %mul3A_149 = arith.mulf %mul3A_148, %add3A_120 : vector<16xf32>
      %mul3A_150 = arith.mulf %mul3A_149, %mul3A_146 : vector<16xf32>
      %mul3A_151 = arith.mulf %mul3A_150, %mul3A_146 : vector<16xf32>
      %sub3A_152 = arith.constant 1.500000e+00 : f32
      %sub3A_153 = vector.broadcast %sub3A_152 : f32 to vector<16xf32>
      %sub3A_154 = arith.subf %sub3A_153, %mul3A_151 : vector<16xf32>
      %mul3A_155 = arith.mulf %mul3A_146, %sub3A_154 : vector<16xf32>
      %mul3A_156 = arith.mulf %sub3A_111, %get3A_50 : vector<16xf32>
      %mul3A_157 = arith.mulf %sub3A_113, %get3A_52 : vector<16xf32>
      %add3A_158 = arith.addf %mul3A_156, %mul3A_157 : vector<16xf32>
      %mul3A_159 = arith.mulf %sub3A_115, %get3A_54 : vector<16xf32>
      %add3A_160 = arith.addf %add3A_158, %mul3A_159 : vector<16xf32>
      %abs3A_161 = math.absf %add3A_160 : vector<16xf32>
      %mul3A_162 = arith.mulf %abs3A_161, %mul3A_155 : vector<16xf32>
      %add3A_163 = arith.addf %add3A_109, %mul3A_162 : vector<16xf32>
      %mul3A_164 = arith.constant 5.000000e-01 : f32
      %mul3A_165 = vector.broadcast %mul3A_164 : f32 to vector<16xf32>
      %mul3A_166 = arith.mulf %mul3A_165, %add3A_163 : vector<16xf32>
      %swap3A = arith.index_cast %mul3A_40 : i32 to index
      %swap3A_167 = tpu.vector_load %arg19[%swap3A] {strides = array<i32>} : memref<512xf32, #tpu.memory_space<vmem>>, vector<16xf32>,
      tpu.vector_store %arg19[%swap3A], %mul3A_166 {strides = array<i32>} : memref<512xf32, #tpu.memory_space<vmem>>, vector<16xf32>,
    }
    %scan3A_37 = arith.constant 32 : i32
    "tpu.region"() ({
      %run_scoped3A = tpu.sem_alloc : memref<!tpu.dma_semaphore, #tpu.memory_space<semaphore_mem>>
      %dma_start3A = tpu.memref_slice %arg10[%select_n3A, %mul3A_32] : memref<4x4096xf32, #tpu.memory_space<hbm>> -> memref<1x512xf32, #tpu.memory_space<hbm>>
      %dma_start3A_38 = tpu.memref_squeeze %dma_start3A : memref<1x512xf32, #tpu.memory_space<hbm>> -> memref<512xf32, #tpu.memory_space<hbm>>
      %dma_start3A_39 = tpu.memref_slice %arg10[%select_n3A, %mul3A_32] : memref<4x4096xf32, #tpu.memory_space<hbm>> -> memref<1x512xf32, #tpu.memory_space<hbm>>
      %dma_start3A_40 = tpu.memref_squeeze %dma_start3A_39 : memref<1x512xf32, #tpu.memory_space<hbm>> -> memref<512xf32, #tpu.memory_space<hbm>>
      tpu.enqueue_dma source(%arg19 : memref<512xf32, #tpu.memory_space<vmem>>) target(%dma_start3A_40 : memref<512xf32, #tpu.memory_space<hbm>>) target_semaphore(%run_scoped3A : memref<!tpu.dma_semaphore, #tpu.memory_space<semaphore_mem>>)
      %dma_wait3A = tpu.memref_slice %arg10[%select_n3A, %mul3A_32] : memref<4x4096xf32, #tpu.memory_space<hbm>> -> memref<1x512xf32, #tpu.memory_space<hbm>>
      %dma_wait3A_41 = tpu.memref_squeeze %dma_wait3A : memref<1x512xf32, #tpu.memory_space<hbm>> -> memref<512xf32, #tpu.memory_space<hbm>>
      %dma_wait3A_42 = tpu.memref_slice %arg10[%select_n3A, %mul3A_32] : memref<4x4096xf32, #tpu.memory_space<hbm>> -> memref<1x512xf32, #tpu.memory_space<hbm>>
      %dma_wait3A_43 = tpu.memref_squeeze %dma_wait3A_42 : memref<1x512xf32, #tpu.memory_space<hbm>> -> memref<512xf32, #tpu.memory_space<hbm>>
      tpu.wait_dma2 semaphore(%run_scoped3A : memref<!tpu.dma_semaphore, #tpu.memory_space<semaphore_mem>>) src(%arg19 : memref<512xf32, #tpu.memory_space<vmem>>) dst(%dma_wait3A_43 : memref<512xf32, #tpu.memory_space<hbm>>)
      tpu.yield
    }) : () -> ()
    return
  }
}

module attributes {stable_mosaic.version = 14 : i64} {
  func.func @_knn_self_body(%arg0: i32, %arg1: i32, %arg2: memref<1x3x1024xf32, #tpu.memory_space<vmem>>, %arg3: memref<1x3x4096xf32, #tpu.memory_space<vmem>>, %arg4: memref<1x2x1024xi32, #tpu.memory_space<vmem>>) attributes {dimension_semantics = [#tpu.dimension_semantics<arbitrary>, #tpu.dimension_semantics<arbitrary>], iteration_bounds = array<i64: 4, 4>, scalar_prefetch = 0 : i64, scratch_operands = 0 : i64, tpu.core_type = #tpu.core_type<tc>, window_params = [{transform_indices = @transform_0, window_bounds = array<i64: 1, 3, 1024>}, {transform_indices = @transform_1, window_bounds = array<i64: 1, 3, 4096>}, {transform_indices = @transform_2, window_bounds = array<i64: 1, 2, 1024>}]} {
    %get3A = arith.constant 0 : index
    %get3A_0 = arith.constant 0 : index
    %get3A_1 = arith.constant 0 : index
    %get3A_2 = vector.load %arg2[%get3A, %get3A_0, %get3A_1] : memref<1x3x1024xf32, #tpu.memory_space<vmem>>, vector<1x3x1024xf32>
    %get3A_3 = vector.shape_cast %get3A_2 : vector<1x3x1024xf32> to vector<3x1024xf32>
    %get3A_4 = arith.constant 0 : index
    %get3A_5 = arith.constant 0 : index
    %get3A_6 = arith.constant 0 : index
    %get3A_7 = vector.load %arg3[%get3A_4, %get3A_5, %get3A_6] : memref<1x3x4096xf32, #tpu.memory_space<vmem>>, vector<1x3x4096xf32>
    %get3A_8 = vector.shape_cast %get3A_7 : vector<1x3x4096xf32> to vector<3x4096xf32>
    %mul3A = arith.mulf %get3A_8, %get3A_8 : vector<3x4096xf32>
    %reduce_sum3A = arith.constant dense<0.000000e+00> : vector<4096xf32>
    %reduce_sum3A_9 = vector.multi_reduction <add>, %mul3A, %reduce_sum3A [0] : vector<3x4096xf32> to vector<4096xf32>
    %broadcast_in_dim3A = vector.shape_cast %reduce_sum3A_9 : vector<4096xf32> to vector<1x4096xf32>
    %dot_general3A = arith.constant dense<0.000000e+00> : vector<1024x4096xf32>
    %dot_general3A_10 = tpu.matmul %get3A_3, %get3A_8, %dot_general3A {dimension_numbers = #tpu.dot_dimension_numbers<[0], [0], [1], [1], [0, 1, 1, 1], [], []>, transpose_lhs_hint = false} : vector<3x1024xf32>, vector<3x4096xf32>, vector<1024x4096xf32> -> vector<1024x4096xf32>
    %mul3A_11 = arith.constant 2.000000e+00 : f32
    %mul3A_12 = vector.broadcast %mul3A_11 : f32 to vector<1024x4096xf32>
    %mul3A_13 = arith.mulf %mul3A_12, %dot_general3A_10 : vector<1024x4096xf32>
    %sub3A = vector.broadcast %broadcast_in_dim3A : vector<1x4096xf32> to vector<1024x4096xf32>
    %sub3A_14 = arith.subf %sub3A, %mul3A_13 : vector<1024x4096xf32>
    %iota3A = tpu.iota {dimensions = array<i32: 1>} : vector<1024x4096xi32>
    %convert_element_type3A = arith.sitofp %iota3A : vector<1024x4096xi32> to vector<1024x4096xf32>
    %reduce_min3A = arith.constant dense<0x7F800000> : vector<1024xf32>
    %reduce_min3A_15 = vector.multi_reduction <minimumf>, %sub3A_14, %reduce_min3A [1] : vector<1024x4096xf32> to vector<1024xf32>
    %broadcast_in_dim3A_16 = vector.shape_cast %reduce_min3A_15 : vector<1024xf32> to vector<1024x1xf32>
    %gt3A = vector.broadcast %broadcast_in_dim3A_16 : vector<1024x1xf32> to vector<1024x4096xf32>
    %gt3A_17 = arith.cmpf ogt, %sub3A_14, %gt3A : vector<1024x4096xf32>
    %jit3A = arith.constant 0x7F800000 : f32
    %broadcast_in_dim3A_18 = vector.broadcast %jit3A : f32 to vector<1024x4096xf32>
    %select_n3A = arith.select %gt3A_17, %sub3A_14, %broadcast_in_dim3A_18 : vector<1024x4096xi1>, vector<1024x4096xf32>
    %reduce_min3A_19 = arith.constant dense<0x7F800000> : vector<1024xf32>
    %reduce_min3A_20 = vector.multi_reduction <minimumf>, %select_n3A, %reduce_min3A_19 [1] : vector<1024x4096xf32> to vector<1024xf32>
    %broadcast_in_dim3A_21 = vector.shape_cast %reduce_min3A_20 : vector<1024xf32> to vector<1024x1xf32>
    %eq3A = vector.broadcast %broadcast_in_dim3A_21 : vector<1024x1xf32> to vector<1024x4096xf32>
    %eq3A_22 = arith.cmpf oeq, %sub3A_14, %eq3A : vector<1024x4096xf32>
    %jit3A_23 = arith.constant 0x7F800000 : f32
    %broadcast_in_dim3A_24 = vector.broadcast %jit3A_23 : f32 to vector<1024x4096xf32>
    %select_n3A_25 = arith.select %eq3A_22, %convert_element_type3A, %broadcast_in_dim3A_24 : vector<1024x4096xi1>, vector<1024x4096xf32>
    %reduce_min3A_26 = arith.constant dense<0x7F800000> : vector<1024xf32>
    %reduce_min3A_27 = vector.multi_reduction <minimumf>, %select_n3A_25, %reduce_min3A_26 [1] : vector<1024x4096xf32> to vector<1024xf32>
    %broadcast_in_dim3A_28 = vector.shape_cast %reduce_min3A_27 : vector<1024xf32> to vector<1024x1xf32>
    %squeeze3A = vector.shape_cast %broadcast_in_dim3A_28 : vector<1024x1xf32> to vector<1024xf32>
    %convert_element_type3A_29 = arith.fptosi %squeeze3A : vector<1024xf32> to vector<1024xi32>
    %swap3A = arith.constant 0 : index
    %swap3A_30 = arith.constant 0 : index
    %swap3A_31 = arith.constant 0 : index
    %swap3A_32 = vector.load %arg4[%swap3A, %swap3A_30, %swap3A_31] : memref<1x2x1024xi32, #tpu.memory_space<vmem>>, vector<1x1x1024xi32>
    %swap3A_33 = vector.shape_cast %swap3A_32 : vector<1x1x1024xi32> to vector<1024xi32>
    %swap3A_34 = vector.shape_cast %convert_element_type3A_29 : vector<1024xi32> to vector<1x1x1024xi32>
    tpu.vector_store %arg4[%swap3A, %swap3A_30, %swap3A_31], %swap3A_34 {strides = array<i32>} : memref<1x2x1024xi32, #tpu.memory_space<vmem>>, vector<1x1x1024xi32>,
    %gt3A_35 = vector.broadcast %broadcast_in_dim3A_21 : vector<1024x1xf32> to vector<1024x4096xf32>
    %gt3A_36 = arith.cmpf ogt, %sub3A_14, %gt3A_35 : vector<1024x4096xf32>
    %jit3A_37 = arith.constant 0x7F800000 : f32
    %broadcast_in_dim3A_38 = vector.broadcast %jit3A_37 : f32 to vector<1024x4096xf32>
    %select_n3A_39 = arith.select %gt3A_36, %sub3A_14, %broadcast_in_dim3A_38 : vector<1024x4096xi1>, vector<1024x4096xf32>
    %reduce_min3A_40 = arith.constant dense<0x7F800000> : vector<1024xf32>
    %reduce_min3A_41 = vector.multi_reduction <minimumf>, %select_n3A_39, %reduce_min3A_40 [1] : vector<1024x4096xf32> to vector<1024xf32>
    %broadcast_in_dim3A_42 = vector.shape_cast %reduce_min3A_41 : vector<1024xf32> to vector<1024x1xf32>
    %eq3A_43 = vector.broadcast %broadcast_in_dim3A_42 : vector<1024x1xf32> to vector<1024x4096xf32>
    %eq3A_44 = arith.cmpf oeq, %sub3A_14, %eq3A_43 : vector<1024x4096xf32>
    %jit3A_45 = arith.constant 0x7F800000 : f32
    %broadcast_in_dim3A_46 = vector.broadcast %jit3A_45 : f32 to vector<1024x4096xf32>
    %select_n3A_47 = arith.select %eq3A_44, %convert_element_type3A, %broadcast_in_dim3A_46 : vector<1024x4096xi1>, vector<1024x4096xf32>
    %reduce_min3A_48 = arith.constant dense<0x7F800000> : vector<1024xf32>
    %reduce_min3A_49 = vector.multi_reduction <minimumf>, %select_n3A_47, %reduce_min3A_48 [1] : vector<1024x4096xf32> to vector<1024xf32>
    %broadcast_in_dim3A_50 = vector.shape_cast %reduce_min3A_49 : vector<1024xf32> to vector<1024x1xf32>
    %squeeze3A_51 = vector.shape_cast %broadcast_in_dim3A_50 : vector<1024x1xf32> to vector<1024xf32>
    %convert_element_type3A_52 = arith.fptosi %squeeze3A_51 : vector<1024xf32> to vector<1024xi32>
    %swap3A_53 = arith.constant 0 : index
    %swap3A_54 = arith.constant 1 : index
    %swap3A_55 = arith.constant 0 : index
    %swap3A_56 = vector.load %arg4[%swap3A_53, %swap3A_54, %swap3A_55] : memref<1x2x1024xi32, #tpu.memory_space<vmem>>, vector<1x1x1024xi32>
    %swap3A_57 = vector.shape_cast %swap3A_56 : vector<1x1x1024xi32> to vector<1024xi32>
    %swap3A_58 = vector.shape_cast %convert_element_type3A_52 : vector<1024xi32> to vector<1x1x1024xi32>
    tpu.vector_store %arg4[%swap3A_53, %swap3A_54, %swap3A_55], %swap3A_58 {strides = array<i32>} : memref<1x2x1024xi32, #tpu.memory_space<vmem>>, vector<1x1x1024xi32>,
    return
  }
  func.func @transform_0(%arg0: i32, %arg1: i32) -> (i32, i32, i32) {
    %c0_i32 = arith.constant 0 : i32
    %c0_i32_0 = arith.constant 0 : i32
    return %arg0, %c0_i32, %arg1 : i32, i32, i32
  }
  func.func @transform_1(%arg0: i32, %arg1: i32) -> (i32, i32, i32) {
    %c0_i32 = arith.constant 0 : i32
    %c0_i32_0 = arith.constant 0 : i32
    %c0_i32_1 = arith.constant 0 : i32
    return %arg0, %c0_i32, %c0_i32_0 : i32, i32, i32
  }
  func.func @transform_2(%arg0: i32, %arg1: i32) -> (i32, i32, i32) {
    %c0_i32 = arith.constant 0 : i32
    %c0_i32_0 = arith.constant 0 : i32
    return %arg0, %c0_i32, %arg1 : i32, i32, i32
  }
}

module attributes {stable_mosaic.version = 14 : i64} {
  func.func @_knn_adv_body(%arg0: i32, %arg1: i32, %arg2: memref<1x3x1024xf32, #tpu.memory_space<vmem>>, %arg3: memref<1x3x4096xf32, #tpu.memory_space<vmem>>, %arg4: memref<1x3x4096xf32, #tpu.memory_space<vmem>>, %arg5: memref<1x2x1024xi32, #tpu.memory_space<vmem>>, %arg6: memref<1x1x1024xi32, #tpu.memory_space<vmem>>) attributes {dimension_semantics = [#tpu.dimension_semantics<arbitrary>, #tpu.dimension_semantics<arbitrary>], iteration_bounds = array<i64: 4, 4>, scalar_prefetch = 0 : i64, scratch_operands = 0 : i64, tpu.core_type = #tpu.core_type<tc>, window_params = [{transform_indices = @transform_0, window_bounds = array<i64: 1, 3, 1024>}, {transform_indices = @transform_1, window_bounds = array<i64: 1, 3, 4096>}, {transform_indices = @transform_2, window_bounds = array<i64: 1, 3, 4096>}, {transform_indices = @transform_3, window_bounds = array<i64: 1, 2, 1024>}, {transform_indices = @transform_4, window_bounds = array<i64: 1, 1, 1024>}]} {
    %get3A = arith.constant 0 : index
    %get3A_0 = arith.constant 0 : index
    %get3A_1 = arith.constant 0 : index
    %get3A_2 = vector.load %arg2[%get3A, %get3A_0, %get3A_1] : memref<1x3x1024xf32, #tpu.memory_space<vmem>>, vector<1x3x1024xf32>
    %get3A_3 = vector.shape_cast %get3A_2 : vector<1x3x1024xf32> to vector<3x1024xf32>
    %get3A_4 = arith.constant 0 : index
    %get3A_5 = arith.constant 0 : index
    %get3A_6 = arith.constant 0 : index
    %get3A_7 = vector.load %arg3[%get3A_4, %get3A_5, %get3A_6] : memref<1x3x4096xf32, #tpu.memory_space<vmem>>, vector<1x3x4096xf32>
    %get3A_8 = vector.shape_cast %get3A_7 : vector<1x3x4096xf32> to vector<3x4096xf32>
    %mul3A = arith.mulf %get3A_8, %get3A_8 : vector<3x4096xf32>
    %reduce_sum3A = arith.constant dense<0.000000e+00> : vector<4096xf32>
    %reduce_sum3A_9 = vector.multi_reduction <add>, %mul3A, %reduce_sum3A [0] : vector<3x4096xf32> to vector<4096xf32>
    %broadcast_in_dim3A = vector.shape_cast %reduce_sum3A_9 : vector<4096xf32> to vector<1x4096xf32>
    %dot_general3A = arith.constant dense<0.000000e+00> : vector<1024x4096xf32>
    %dot_general3A_10 = tpu.matmul %get3A_3, %get3A_8, %dot_general3A {dimension_numbers = #tpu.dot_dimension_numbers<[0], [0], [1], [1], [0, 1, 1, 1], [], []>, transpose_lhs_hint = false} : vector<3x1024xf32>, vector<3x4096xf32>, vector<1024x4096xf32> -> vector<1024x4096xf32>
    %mul3A_11 = arith.constant 2.000000e+00 : f32
    %mul3A_12 = vector.broadcast %mul3A_11 : f32 to vector<1024x4096xf32>
    %mul3A_13 = arith.mulf %mul3A_12, %dot_general3A_10 : vector<1024x4096xf32>
    %sub3A = vector.broadcast %broadcast_in_dim3A : vector<1x4096xf32> to vector<1024x4096xf32>
    %sub3A_14 = arith.subf %sub3A, %mul3A_13 : vector<1024x4096xf32>
    %iota3A = tpu.iota {dimensions = array<i32: 1>} : vector<1024x4096xi32>
    %convert_element_type3A = arith.sitofp %iota3A : vector<1024x4096xi32> to vector<1024x4096xf32>
    %reduce_min3A = arith.constant dense<0x7F800000> : vector<1024xf32>
    %reduce_min3A_15 = vector.multi_reduction <minimumf>, %sub3A_14, %reduce_min3A [1] : vector<1024x4096xf32> to vector<1024xf32>
    %broadcast_in_dim3A_16 = vector.shape_cast %reduce_min3A_15 : vector<1024xf32> to vector<1024x1xf32>
    %gt3A = vector.broadcast %broadcast_in_dim3A_16 : vector<1024x1xf32> to vector<1024x4096xf32>
    %gt3A_17 = arith.cmpf ogt, %sub3A_14, %gt3A : vector<1024x4096xf32>
    %jit3A = arith.constant 0x7F800000 : f32
    %broadcast_in_dim3A_18 = vector.broadcast %jit3A : f32 to vector<1024x4096xf32>
    %select_n3A = arith.select %gt3A_17, %sub3A_14, %broadcast_in_dim3A_18 : vector<1024x4096xi1>, vector<1024x4096xf32>
    %reduce_min3A_19 = arith.constant dense<0x7F800000> : vector<1024xf32>
    %reduce_min3A_20 = vector.multi_reduction <minimumf>, %select_n3A, %reduce_min3A_19 [1] : vector<1024x4096xf32> to vector<1024xf32>
    %broadcast_in_dim3A_21 = vector.shape_cast %reduce_min3A_20 : vector<1024xf32> to vector<1024x1xf32>
    %eq3A = vector.broadcast %broadcast_in_dim3A_21 : vector<1024x1xf32> to vector<1024x4096xf32>
    %eq3A_22 = arith.cmpf oeq, %sub3A_14, %eq3A : vector<1024x4096xf32>
    %jit3A_23 = arith.constant 0x7F800000 : f32
    %broadcast_in_dim3A_24 = vector.broadcast %jit3A_23 : f32 to vector<1024x4096xf32>
    %select_n3A_25 = arith.select %eq3A_22, %convert_element_type3A, %broadcast_in_dim3A_24 : vector<1024x4096xi1>, vector<1024x4096xf32>
    %reduce_min3A_26 = arith.constant dense<0x7F800000> : vector<1024xf32>
    %reduce_min3A_27 = vector.multi_reduction <minimumf>, %select_n3A_25, %reduce_min3A_26 [1] : vector<1024x4096xf32> to vector<1024xf32>
    %broadcast_in_dim3A_28 = vector.shape_cast %reduce_min3A_27 : vector<1024xf32> to vector<1024x1xf32>
    %squeeze3A = vector.shape_cast %broadcast_in_dim3A_28 : vector<1024x1xf32> to vector<1024xf32>
    %convert_element_type3A_29 = arith.fptosi %squeeze3A : vector<1024xf32> to vector<1024xi32>
    %swap3A = arith.constant 0 : index
    %swap3A_30 = arith.constant 0 : index
    %swap3A_31 = arith.constant 0 : index
    %swap3A_32 = vector.load %arg5[%swap3A, %swap3A_30, %swap3A_31] : memref<1x2x1024xi32, #tpu.memory_space<vmem>>, vector<1x1x1024xi32>
    %swap3A_33 = vector.shape_cast %swap3A_32 : vector<1x1x1024xi32> to vector<1024xi32>
    %swap3A_34 = vector.shape_cast %convert_element_type3A_29 : vector<1024xi32> to vector<1x1x1024xi32>
    tpu.vector_store %arg5[%swap3A, %swap3A_30, %swap3A_31], %swap3A_34 {strides = array<i32>} : memref<1x2x1024xi32, #tpu.memory_space<vmem>>, vector<1x1x1024xi32>,
    %gt3A_35 = vector.broadcast %broadcast_in_dim3A_21 : vector<1024x1xf32> to vector<1024x4096xf32>
    %gt3A_36 = arith.cmpf ogt, %sub3A_14, %gt3A_35 : vector<1024x4096xf32>
    %jit3A_37 = arith.constant 0x7F800000 : f32
    %broadcast_in_dim3A_38 = vector.broadcast %jit3A_37 : f32 to vector<1024x4096xf32>
    %select_n3A_39 = arith.select %gt3A_36, %sub3A_14, %broadcast_in_dim3A_38 : vector<1024x4096xi1>, vector<1024x4096xf32>
    %reduce_min3A_40 = arith.constant dense<0x7F800000> : vector<1024xf32>
    %reduce_min3A_41 = vector.multi_reduction <minimumf>, %select_n3A_39, %reduce_min3A_40 [1] : vector<1024x4096xf32> to vector<1024xf32>
    %broadcast_in_dim3A_42 = vector.shape_cast %reduce_min3A_41 : vector<1024xf32> to vector<1024x1xf32>
    %eq3A_43 = vector.broadcast %broadcast_in_dim3A_42 : vector<1024x1xf32> to vector<1024x4096xf32>
    %eq3A_44 = arith.cmpf oeq, %sub3A_14, %eq3A_43 : vector<1024x4096xf32>
    %jit3A_45 = arith.constant 0x7F800000 : f32
    %broadcast_in_dim3A_46 = vector.broadcast %jit3A_45 : f32 to vector<1024x4096xf32>
    %select_n3A_47 = arith.select %eq3A_44, %convert_element_type3A, %broadcast_in_dim3A_46 : vector<1024x4096xi1>, vector<1024x4096xf32>
    %reduce_min3A_48 = arith.constant dense<0x7F800000> : vector<1024xf32>
    %reduce_min3A_49 = vector.multi_reduction <minimumf>, %select_n3A_47, %reduce_min3A_48 [1] : vector<1024x4096xf32> to vector<1024xf32>
    %broadcast_in_dim3A_50 = vector.shape_cast %reduce_min3A_49 : vector<1024xf32> to vector<1024x1xf32>
    %squeeze3A_51 = vector.shape_cast %broadcast_in_dim3A_50 : vector<1024x1xf32> to vector<1024xf32>
    %convert_element_type3A_52 = arith.fptosi %squeeze3A_51 : vector<1024xf32> to vector<1024xi32>
    %swap3A_53 = arith.constant 0 : index
    %swap3A_54 = arith.constant 1 : index
    %swap3A_55 = arith.constant 0 : index
    %swap3A_56 = vector.load %arg5[%swap3A_53, %swap3A_54, %swap3A_55] : memref<1x2x1024xi32, #tpu.memory_space<vmem>>, vector<1x1x1024xi32>
    %swap3A_57 = vector.shape_cast %swap3A_56 : vector<1x1x1024xi32> to vector<1024xi32>
    %swap3A_58 = vector.shape_cast %convert_element_type3A_52 : vector<1024xi32> to vector<1x1x1024xi32>
    tpu.vector_store %arg5[%swap3A_53, %swap3A_54, %swap3A_55], %swap3A_58 {strides = array<i32>} : memref<1x2x1024xi32, #tpu.memory_space<vmem>>, vector<1x1x1024xi32>,
    %get3A_59 = arith.constant 0 : index
    %get3A_60 = arith.constant 0 : index
    %get3A_61 = arith.constant 0 : index
    %get3A_62 = vector.load %arg2[%get3A_59, %get3A_60, %get3A_61] : memref<1x3x1024xf32, #tpu.memory_space<vmem>>, vector<1x3x1024xf32>
    %get3A_63 = vector.shape_cast %get3A_62 : vector<1x3x1024xf32> to vector<3x1024xf32>
    %get3A_64 = arith.constant 0 : index
    %get3A_65 = arith.constant 0 : index
    %get3A_66 = arith.constant 0 : index
    %get3A_67 = vector.load %arg4[%get3A_64, %get3A_65, %get3A_66] : memref<1x3x4096xf32, #tpu.memory_space<vmem>>, vector<1x3x4096xf32>
    %get3A_68 = vector.shape_cast %get3A_67 : vector<1x3x4096xf32> to vector<3x4096xf32>
    %mul3A_69 = arith.mulf %get3A_68, %get3A_68 : vector<3x4096xf32>
    %reduce_sum3A_70 = arith.constant dense<0.000000e+00> : vector<4096xf32>
    %reduce_sum3A_71 = vector.multi_reduction <add>, %mul3A_69, %reduce_sum3A_70 [0] : vector<3x4096xf32> to vector<4096xf32>
    %broadcast_in_dim3A_72 = vector.shape_cast %reduce_sum3A_71 : vector<4096xf32> to vector<1x4096xf32>
    %dot_general3A_73 = arith.constant dense<0.000000e+00> : vector<1024x4096xf32>
    %dot_general3A_74 = tpu.matmul %get3A_63, %get3A_68, %dot_general3A_73 {dimension_numbers = #tpu.dot_dimension_numbers<[0], [0], [1], [1], [0, 1, 1, 1], [], []>, transpose_lhs_hint = false} : vector<3x1024xf32>, vector<3x4096xf32>, vector<1024x4096xf32> -> vector<1024x4096xf32>
    %mul3A_75 = arith.constant 2.000000e+00 : f32
    %mul3A_76 = vector.broadcast %mul3A_75 : f32 to vector<1024x4096xf32>
    %mul3A_77 = arith.mulf %mul3A_76, %dot_general3A_74 : vector<1024x4096xf32>
    %sub3A_78 = vector.broadcast %broadcast_in_dim3A_72 : vector<1x4096xf32> to vector<1024x4096xf32>
    %sub3A_79 = arith.subf %sub3A_78, %mul3A_77 : vector<1024x4096xf32>
    %reduce_min3A_80 = arith.constant dense<0x7F800000> : vector<1024xf32>
    %reduce_min3A_81 = vector.multi_reduction <minimumf>, %sub3A_79, %reduce_min3A_80 [1] : vector<1024x4096xf32> to vector<1024xf32>
    %broadcast_in_dim3A_82 = vector.shape_cast %reduce_min3A_81 : vector<1024xf32> to vector<1024x1xf32>
    %eq3A_83 = vector.broadcast %broadcast_in_dim3A_82 : vector<1024x1xf32> to vector<1024x4096xf32>
    %eq3A_84 = arith.cmpf oeq, %sub3A_79, %eq3A_83 : vector<1024x4096xf32>
    %jit3A_85 = arith.constant 0x7F800000 : f32
    %broadcast_in_dim3A_86 = vector.broadcast %jit3A_85 : f32 to vector<1024x4096xf32>
    %select_n3A_87 = arith.select %eq3A_84, %convert_element_type3A, %broadcast_in_dim3A_86 : vector<1024x4096xi1>, vector<1024x4096xf32>
    %reduce_min3A_88 = arith.constant dense<0x7F800000> : vector<1024xf32>
    %reduce_min3A_89 = vector.multi_reduction <minimumf>, %select_n3A_87, %reduce_min3A_88 [1] : vector<1024x4096xf32> to vector<1024xf32>
    %broadcast_in_dim3A_90 = vector.shape_cast %reduce_min3A_89 : vector<1024xf32> to vector<1024x1xf32>
    %squeeze3A_91 = vector.shape_cast %broadcast_in_dim3A_90 : vector<1024x1xf32> to vector<1024xf32>
    %convert_element_type3A_92 = arith.fptosi %squeeze3A_91 : vector<1024xf32> to vector<1024xi32>
    %swap3A_93 = arith.constant 0 : index
    %swap3A_94 = arith.constant 0 : index
    %swap3A_95 = arith.constant 0 : index
    %swap3A_96 = vector.load %arg6[%swap3A_93, %swap3A_94, %swap3A_95] : memref<1x1x1024xi32, #tpu.memory_space<vmem>>, vector<1x1x1024xi32>
    %swap3A_97 = vector.shape_cast %swap3A_96 : vector<1x1x1024xi32> to vector<1024xi32>
    %swap3A_98 = vector.shape_cast %convert_element_type3A_92 : vector<1024xi32> to vector<1x1x1024xi32>
    tpu.vector_store %arg6[%swap3A_93, %swap3A_94, %swap3A_95], %swap3A_98 {strides = array<i32>} : memref<1x1x1024xi32, #tpu.memory_space<vmem>>, vector<1x1x1024xi32>,
    return
  }
  func.func @transform_0(%arg0: i32, %arg1: i32) -> (i32, i32, i32) {
    %c0_i32 = arith.constant 0 : i32
    %c0_i32_0 = arith.constant 0 : i32
    return %arg0, %c0_i32, %arg1 : i32, i32, i32
  }
  func.func @transform_1(%arg0: i32, %arg1: i32) -> (i32, i32, i32) {
    %c0_i32 = arith.constant 0 : i32
    %c0_i32_0 = arith.constant 0 : i32
    %c0_i32_1 = arith.constant 0 : i32
    return %arg0, %c0_i32, %c0_i32_0 : i32, i32, i32
  }
  func.func @transform_2(%arg0: i32, %arg1: i32) -> (i32, i32, i32) {
    %c0_i32 = arith.constant 0 : i32
    %c0_i32_0 = arith.constant 0 : i32
    %c0_i32_1 = arith.constant 0 : i32
    return %arg0, %c0_i32, %c0_i32_0 : i32, i32, i32
  }
  func.func @transform_3(%arg0: i32, %arg1: i32) -> (i32, i32, i32) {
    %c0_i32 = arith.constant 0 : i32
    %c0_i32_0 = arith.constant 0 : i32
    return %arg0, %c0_i32, %arg1 : i32, i32, i32
  }
  func.func @transform_4(%arg0: i32, %arg1: i32) -> (i32, i32, i32) {
    %c0_i32 = arith.constant 0 : i32
    %c0_i32_0 = arith.constant 0 : i32
    return %arg0, %c0_i32, %arg1 : i32, i32, i32
  }
}

</mosaic_0001>

<sc_bundles>
// kernel: kernel.6.cloned.1.call-start
scs
__scs_entry_jumppad:
0x0: {  	(pc) =	sbr.rel $0x88, $3  }
0x1: {  	(tag) =	ssettag $0x0;
	lr =	simm.s32 $0x1  }
0x2: {  	[smem:$0x3F9E] =	sst lr;
	_ =	strace $0xD0000000  }
0x3: {  	_ = 	snop  }
0x4: {  	_ = 	snop  }
0x5: {  	_ = 	snop  }
0x6: {  	_ = 	snop  }
0x7: {  	_ = 	snop  }
__scs_overlays_trampoline_lowered:
0x8: {  	[smem:$0x3FAD] =	sst s0  }
0x9: {  	[smem:$0x3FAE] =	sst s1  }
0xa: {  	[smem:$0x3FAF] =	sst s2  }
0xb: {  	[smem:$0x3FB0] =	sst s3  }
0xc: {  	[smem:$0x3FB1] =	sst s4  }
0xd: {  	[smem:$0x3FB2] =	sst s5  }
0xe: {  	[smem:$0x3FB3] =	sst s6  }
0xf: {  	[smem:$0x3FB4] =	sst s7  }
0x10: {  	[smem:$0x3FB5] =	sst s8  }
0x11: {  	[smem:$0x3FB6] =	sst s9;
	s0 =	simm.s32 @!p0 $0x0  }
0x12: {  	s1 =	sld [smem:$0x3F9C];
	s0 =	simm.s32 @p0 $0x1  }
0x13: {  	[smem:$0x3FB7] =	sst s0;
	s0 =	simm.s32 @!p1 $0x0  }
0x14: {  	s2 =	sld [smem:$0x3F9B];
	s0 =	simm.s32 @p1 $0x1  }
0x15: {  	[smem:$0x3FB8] =	sst s0;
	s0 =	simm.s32 @!p2 $0x0  }
0x16: {  	s3 =	sld [smem:$0x3FDB];
	s0 =	simm.s32 @p2 $0x1  }
0x17: {  	s4 =	simm.s32 $0x1BF5;
	[smem:$0x3FBA] =	sst s0  }
0x18: {  	s0 =	sld [smem:$0x3F9D];
	_ =	swait.ge [sflag:s4], $0x0  }
0x19: {  	s7 =	sld [smem:$0x3F9E]  }
0x1a: {  	s8 =	sadd.s32 $0xFFFFE003, lr  }
0x1b: {  	s9 =	sadd.s32 $0xFFFFFEF7, lr;
	s5 =	simm.s32 $0xFFFFFFFF;
	p2 =	slt.u32 s8, $0xFFFFF086  }
0x1c: {  	p1 =	slt.u32 s9, $0xF7A;
	s5 =	simm.s32 @!p2 $0x0  }
0x1d: {  	s5 =	simm.s32 @p1 $0x1;
	p0 =	seq.s32 s7, s2  }
0x1e: {  	s7 =	smul.u32 @!p0 $0xF7A, s2;
	p2 =	seq.s32 @!p0 s5, $0x0  }
0x1f: {  	s9 =	smul.u32 $0xF7A, s1;
	s8 =	simm.s32 @!p0 $0x1BF5;
	p2 =	por !p2, p0  }
0x20: {  	[sflag:s8] =	ssyncset.s32 @!p0 $0xFFFFF086;
	s6 =	sadd.s32 @!p0 s3, s7;
	s7 =	simm.s32 @!p0 $0x108  }
0x21: {  	s3 =	sadd.s32 s3, s9;
	s6 =	sadd.s32 @!p0 $0x88, s6;
	s7 =	simm.s32 @p2 $0x1082  }
0x22: {  	[simem:s7], [sflag:s8] =	dma.local @!p0 [hbm:s6], $0xF7A  }
0x23: {  	s9 =	sor.u32 $0xD0000000, s2;
	s6 =	simm.s32 $0x108;
	_ =	swait.ge @!p0 [sflag:s8], $0x0  }
0x24: {  	s3 =	sadd.s32 $0x88, s3;
	s6 =	simm.s32 @!p1 $0x1082;
	[sflag:s4] =	ssyncset.s32 $0xFFFFF086  }
0x25: {  	[simem:s6], [sflag:s4] =	dma.local [hbm:s3], $0xF7A  }
0x26: {  	[smem:$0x3F9E] =	sst s1;
	(tag) =	ssettag s2;
	_ =	strace s9  }
0x27: {  	s1 =	sld [smem:$0x3FAE]  }
0x28: {  	s2 =	sld [smem:$0x3FAF]  }
0x29: {  	s4 =	sld [smem:$0x3FB1]  }
0x2a: {  	p0 =	seq.s32 s5, $0x0;
	s5 =	sld [smem:$0x3FB2]  }
0x2b: {  	s6 =	sld [smem:$0x3FB3]  }
0x2c: {  	s7 =	sld [smem:$0x3FB4]  }
0x2d: {  	s3 =	simm.s32 $0x108;
	s8 =	sld [smem:$0x3FB5]  }
0x2e: {  	s3 =	simm.s32 @!p0 $0x1082;
	s9 =	sld [smem:$0x3FB6]  }
0x2f: {  	lr =	sadd.s32 s0, s3;
	s0 =	sld [smem:$0x3FAD]  }
0x30: {  	s3 =	sld [smem:$0x3FB0]  }
0x31: {  	[smem:$0x3FB9] =	sst s10  }
0x32: {  	s10 =	sld [smem:$0x3FB7];
	_ =	sdelay $0x3  }
0x33: {  	p0 =	seq.s32 s10, $0x1;
	s10 =	sld [smem:$0x3FB9];
	_ =	sdelay $0x3  }
0x34: {  	[smem:$0x3FB9] =	sst s10  }
0x35: {  	s10 =	sld [smem:$0x3FB8];
	_ =	sdelay $0x3  }
0x36: {  	p1 =	seq.s32 s10, $0x1;
	s10 =	sld [smem:$0x3FB9];
	_ =	sdelay $0x3  }
0x37: {  	[smem:$0x3FB9] =	sst s10  }
0x38: {  	s10 =	sld [smem:$0x3FBA]  }
0x39: {  	_ = 	snop;
	(pc) =	sbr.ind lr, $3  }
0x3a: {  	_ = 	snop  }
0x3b: {  	_ = 	snop  }
0x3c: {  	p2 =	seq.s32 s10, $0x1;
	s10 =	sld [smem:$0x3FB9]  }
0x3d: {  	_ =	shalt  }
0x3e: {  	_ =	shalt  }
0x3f: {  	_ =	shalt  }
0x40: {  	_ =	shalt  }
0x41: {  	_ =	shalt  }
0x42: {  	_ =	shalt  }
0x43: {  	_ =	shalt  }
0x44: {  	_ =	shalt  }
0x45: {  	_ =	shalt  }
0x46: {  	_ =	shalt  }
0x47: {  	_ =	shalt  }
0x48: {  	_ =	shalt  }
0x49: {  	_ =	shalt  }
0x4a: {  	_ =	shalt  }
0x4b: {  	_ =	shalt  }
0x4c: {  	_ =	shalt  }
0x4d: {  	_ =	shalt  }
0x4e: {  	_ =	shalt  }
0x4f: {  	_ =	shalt  }
0x50: {  	_ =	shalt  }
0x51: {  	_ =	shalt  }
0x52: {  	_ =	shalt  }
0x53: {  	_ =	shalt  }
0x54: {  	_ =	shalt  }
0x55: {  	_ =	shalt  }
0x56: {  	_ =	shalt  }
0x57: {  	_ =	shalt  }
0x58: {  	_ =	shalt  }
0x59: {  	_ =	shalt  }
0x5a: {  	_ =	shalt  }
0x5b: {  	_ =	shalt  }
0x5c: {  	_ =	shalt  }
0x5d: {  	_ =	shalt  }
0x5e: {  	_ =	shalt  }
0x5f: {  	_ =	shalt  }
0x60: {  	_ =	shalt  }
0x61: {  	_ =	shalt  }
0x62: {  	_ =	shalt  }
0x63: {  	_ =	shalt  }
0x64: {  	_ =	shalt  }
0x65: {  	_ =	shalt  }
0x66: {  	_ =	shalt  }
0x67: {  	_ =	shalt  }
0x68: {  	_ =	shalt  }
0x69: {  	_ =	shalt  }
0x6a: {  	_ =	shalt  }
0x6b: {  	_ =	shalt  }
0x6c: {  	_ =	shalt  }
0x6d: {  	_ =	shalt  }
0x6e: {  	_ =	shalt  }
0x6f: {  	_ =	shalt  }
0x70: {  	_ =	shalt  }
0x71: {  	_ =	shalt  }
0x72: {  	_ =	shalt  }
0x73: {  	_ =	shalt  }
0x74: {  	_ =	shalt  }
0x75: {  	_ =	shalt  }
0x76: {  	_ =	shalt  }
0x77: {  	_ =	shalt  }
0x78: {  	_ =	shalt  }
0x79: {  	_ =	shalt  }
0x7a: {  	_ =	shalt  }
0x7b: {  	_ =	shalt  }
0x7c: {  	_ =	shalt  }
0x7d: {  	_ =	shalt  }
0x7e: {  	_ =	shalt  }
0x7f: {  	_ =	shalt  }
0x80: {  	_ =	shalt  }
0x81: {  	_ =	shalt  }
0x82: {  	_ =	shalt  }
0x83: {  	_ =	shalt  }
0x84: {  	_ =	shalt  }
0x85: {  	_ =	shalt  }
0x86: {  	_ =	shalt  }
0x87: {  	_ =	shalt  }
.Lfunc_end0:
.L_simem_size_0:
called_computation_lowered:
.L_overlay_start_0:
0x88: {  	s2 =	sld [smem:$0x3FD9]  }
0x89: {  	s3 =	sld [smem:$0x3FFE];
	_ =	sdelay $0x1  }
0x8a: {  	s1 =	srdreg.scid  }
0x8b: {  	s0 =	sand.u32 $0x1, s1  }
0x8c: {  	s16 =	sshll.u32 s0, $0xA;
	s2 =	sadd.s32 s3, s2  }
0x8d: {  	s2 =	sadd.s32 s2, s16  }
0x8e: {  	[smem:$0x3FC5] =	sst s2  }
0x8f: {  	_ = 	snop  }
0x90: {  	(tm) =	ssettm $0x1  }
0x91: {  	s17 =	sld [smem:$0x3FFB];
	_ =	sdelay $0x3  }
0x92: {  	_ =	strace s17  }
0x93: {  	s2 =	sld [smem:$0x3FFC];
	_ =	sdelay $0x3  }
0x94: {  	_ =	strace s2  }
0x95: {  	s2 =	sld [smem:$0x3FFD];
	_ =	sdelay $0x3  }
0x96: {  	_ =	strace s2  }
0x97: {  	_ =	strace $0x8FFFFFFF  }
0x98: {  	s18 =	sld [smem:$0x3FDB];
	_ =	sdelay $0x1  }
0x99: {  	s19 =	simm.s32 $_scs_section_size  }
0x9a: {  	s4 =	simm.s32 $_size__tile_overlayer_lowered;
	s5 =	simm.s32 $_tile_overlayer_lowered  }
0x9b: {  	s22 =	simm.s32 $0x1BFF;
	s21 =	sshll.u32 s5, $0x1;
	s2 =	sadd.s32 s19, s18  }
0x9c: {  	s6 =	simm.s32 $0x0;
	s20 =	sshll.u32 s4, $0x1;
	s4 =	sadd.s32 s21, s2  }
0x9d: {  	[timem:s6], [sflag:s22] =	dma.local [hbm:s4], s20  }
0x9e: {  	_ =	swait.ge [sflag:s22], s20  }
0x9f: {  	s3 =	ssub.s32 $0x0, s20;
	[sflag:s22] =	ssyncset.done $0x0  }
0xa0: {  	[sflag:s22] =	ssyncadd.s32 s3;
	_ =	sdelay $0x1  }
0xa1: {  	s23 =	simm.s32 $0x1B8B  }
0xa2: {  	_ =	swait.ge [sflag:s23], $0x1  }
0xa3: {  	[sflag:s23] =	ssyncset.done $0x0  }
0xa4: {  	s25 =	simm.s32 $0x1B8E;
	s24 =	sld [smem:$0x3FFE];
	[sflag:s23] =	ssyncadd.s32 $0xFFFFFFFF  }
0xa5: {  	s26 =	simm.s32 $execute0_lowered;
	[smem:$0x3FD2] =	sst s25  }
0xa6: {  	s4 =	sshll.u32 s26, $0x1;
	_ =	strace $0x80000046;
	[dreg:$0x1] =	wrdreg $0xFFFFFFFF  }
0xa7: {  	s28 =	simm.s32 $_size_execute0_lowered;
	s2 =	sadd.s32 s2, s4;
	[dreg:$0x0] =	wrdreg $0x0  }
0xa8: {  	s4 =	sshll.u32 s28, $0x1;
	[dreg:$0x2] =	wrdreg s2  }
0xa9: {  	[dreg:$0x3] =	wrdreg s4  }
0xaa: {  	[dreg:$0x4] =	wrdreg $0xC0  }
0xab: {  	_ =	task [dreg:s6], $0x5FFFF  }
0xac: {  	[dreg:$0x1] =	wrdreg $0xFFFFFFFF  }
0xad: {  	[dreg:$0x0] =	wrdreg $0x60  }
0xae: {  	[dreg:$0x2] =	wrdreg s24  }
0xaf: {  	[dreg:$0x3] =	wrdreg $0x9  }
0xb0: {  	_ =	task.clear_ibuf [dreg:s6], $0x4FFFF;
	_ =	strace $0x90000046  }
0xb1: {  	s29 =	simm.s32 $0x9;
	_ =	strace $0x80000048  }
0xb2: {  	_ =	swait.ge [sflag:s29], $0x1  }
0xb3: {  	[sflag:s29] =	ssyncadd.s32 $0xFFFFFFFF  }
0xb4: {  	_ =	strace $0x90000048  }
0xb5: {  	_ =	sfence  }
0xb6: {  	s30 =	sld [smem:$0x0];
	_ =	sdelay $0x2  }
0xb7: {  	s31 =	sshll.u32 s1, $0xD;
	s1 =	sshrl.u32 s1, $0x2  }
0xb8: {  	s3 =	sand.u32 $0x4000, s31;
	s1 =	sadd.s32 s1, s30  }
0xb9: {  	s0 =	sor.u32 s3, s0;
	s1 =	sshll.u32 s1, $0x11  }
0xba: {  	s0 =	sor.u32 s1, s0  }
0xbb: {  	s0 =	sadd.s32 $0x8F2B, s0  }
0xbc: {  	[sflag:s0] =	ssyncadd.remote.s32 $0x1  }
0xbd: {  	_ =	sfence.sel $0xFFFF  }
0xbe: {  	[dreg:$0x0] =	wrdreg $0xFFFFFFFF;
	(pc) =	sbr.abs _section_cstart, $3  }
0xbf: {  	[dreg:$0x1] =	wrdreg $0xFFFFFFFF  }
0xc0: {  	_ =	task.clear_ibuf [dreg:s6], $0x2FFFF;
	_ =	strace $0x9FFFFFFF  }
0xc1: {  	(tm) =	ssettm $0x7FFFFFFF  }
tec
execute0_lowered:
.L_overlay_start_1:
0x0: {  	(tag) =	ssettag $0x1  }
0x1: {  	s0 =	stileid.u32  }
0x2: {  	s3 =	rddreg [dreg:$0x0];
	s2 =	srdreg.scid  }
0x3: {  	s1 =	rddreg [dreg:$0x1];
	s14 =	simm.s32 $0x200;
	s15 =	simm.s32 $0x1  }
0x4: {  	s16 =	simm.s32 $0x1000;
	s17 =	simm.s32 $0x2000;
	s18 =	simm.s32 $0x3000  }
0x5: {  	s19 =	simm.s32 $0x3200;
	s20 =	simm.s32 $0x3400;
	s21 =	simm.s32 $0x3600  }
0x6: {  	s4 =	sshll.u32 s0, $0x1;
	s8 =	sand.u32 $0x1, s2;
	s2 =	simm.s32 $0x0  }
0x7: {  	s5 =	sshll.u32 s0, $0x5;
	s9 =	sand.u32 $0x3, s0;
	s4 =	sand.u32 $0x6, s4  }
0x8: {  	[smem:$0x7FF] =	sst s2;
	s5 =	sand.u32 $0x180, s5;
	s6 =	ssub.s32 $0x2, s8  }
0x9: {  	s10 =	sshll.u32 s9, $0xC;
	s13 =	sshll.u32 s8, $0xB;
	s4 =	sor.u32 s8, s4  }
0xa: {  	_ =	strace $0x80000047;
	s31 =	sshrl.u32 s6, $0x1;
	s13 =	sor.u32 s13, s10  }
0xb: {  	s4 =	sshll.u32 s4, $0xB;
	s12 =	ssub.s32 s6, s31;
	s22 =	sshrl.u32 s13, $0x2  }
0xc: {  	s13 =	simm.s32 $0x80;
	s4 =	sor.u32 s5, s4;
	s5 =	sshrl.u32 s5, $0x3  }
0xd: {  	s12 =	smax.u32 s12, $0x1;
	s23 =	sor.u32 $0x1000, s22;
	s24 =	sor.u32 $0x2000, s22  }
0xe: {  	v0 =	vmov s22;
	s22 =	simm.s32 $0x3800;
	s4 =	sshrl.u32 s4, $0x3;
	s5 =	sadd.s32 s5, s3  }
0xf: {  	v1 =	vmov s23;
	s23 =	simm.s32 $0x3A00;
	v2 =	vmov s24;
	s24 =	simm.s32 $0x0;
	s11 =	sadd.s32 s4, s3  }
0x10: {  	s3 =	sadd.s32 $0x1000, s5;
	s4 =	sadd.s32 $0x1800, s5;
	s5 =	sadd.s32 $0x2000, s5  }
0x11: {  	s6 =	sadd.s32 $0x3800, s11;
	s7 =	sadd.s32 $0x3000, s11;
	s8 =	sadd.s32 $0x2800, s11  }
0x12: {  	s9 =	sadd.s32 $0x4800, s11;
	s10 =	sadd.s32 $0x4000, s11;
	s11 =	sadd.s32 $0x5000, s11  }
.LBB2_1:
0x13: {  	[tilespmem:s2], [sflag:$0x1] =	stream.strided.gather [hbm4b:s3+s13], $0x1000, s14, s13, $0x38;
	[tilespmem:$0x3C00] =	vst v63  }
0x14: {  	_ =	swait.ge [sflag:s15], $0x1000  }
0x15: {  	[sflag:s15] =	ssyncset.done $0x0  }
0x16: {  	[sflag:s15] =	ssyncadd.s32 $0xFFFFF000  }
0x17: {  	[tilespmem:s16], [sflag:$0x1] =	stream.strided.gather [hbm4b:s4+s13], $0x1000, s14, s13, $0x38;
	[tilespmem:$0x3C00] =	vst v63  }
0x18: {  	_ =	swait.ge [sflag:s15], $0x1000  }
0x19: {  	[sflag:s15] =	ssyncset.done $0x0  }
0x1a: {  	[sflag:s15] =	ssyncadd.s32 $0xFFFFF000  }
0x1b: {  	[tilespmem:s17], [sflag:$0x1] =	stream.strided.gather [hbm4b:s5+s13], $0x1000, s14, s13, $0x38;
	[tilespmem:$0x3C00] =	vst v63  }
0x1c: {  	_ =	swait.ge [sflag:s15], $0x1000  }
0x1d: {  	[sflag:s15] =	ssyncset.done $0x0  }
0x1e: {  	[sflag:s15] =	ssyncadd.s32 $0xFFFFF000  }
0x1f: {  	[tilespmem:s18], [sflag:$0x1] =	stream.strided.gather [hbm4b:s6+s13], $0x200, s14, s13, $0x38;
	[tilespmem:$0x3C00] =	vst v63  }
0x20: {  	_ =	swait.ge [sflag:s15], $0x200  }
0x21: {  	[sflag:s15] =	ssyncset.done $0x0  }
0x22: {  	[sflag:s15] =	ssyncadd.s32 $0xFFFFFE00  }
0x23: {  	[tilespmem:s19], [sflag:$0x1] =	stream.strided.gather [hbm4b:s7+s13], $0x200, s14, s13, $0x38;
	[tilespmem:$0x3C00] =	vst v63  }
0x24: {  	_ =	swait.ge [sflag:s15], $0x200  }
0x25: {  	[sflag:s15] =	ssyncset.done $0x0  }
0x26: {  	[sflag:s15] =	ssyncadd.s32 $0xFFFFFE00  }
0x27: {  	[tilespmem:s20], [sflag:$0x1] =	stream.strided.gather [hbm4b:s8+s13], $0x200, s14, s13, $0x38;
	[tilespmem:$0x3C00] =	vst v63  }
0x28: {  	_ =	swait.ge [sflag:s15], $0x200  }
0x29: {  	[sflag:s15] =	ssyncset.done $0x0  }
0x2a: {  	[sflag:s15] =	ssyncadd.s32 $0xFFFFFE00  }
0x2b: {  	[tilespmem:s21], [sflag:$0x1] =	stream.strided.gather [hbm4b:s9+s13], $0x200, s14, s13, $0x38;
	[tilespmem:$0x3C00] =	vst v63  }
0x2c: {  	_ =	swait.ge [sflag:s15], $0x200  }
0x2d: {  	[sflag:s15] =	ssyncset.done $0x0  }
0x2e: {  	[sflag:s15] =	ssyncadd.s32 $0xFFFFFE00  }
0x2f: {  	[tilespmem:s22], [sflag:$0x1] =	stream.strided.gather [hbm4b:s10+s13], $0x200, s14, s13, $0x38;
	[tilespmem:$0x3C00] =	vst v63  }
0x30: {  	_ =	swait.ge [sflag:s15], $0x200  }
0x31: {  	[sflag:s15] =	ssyncset.done $0x0  }
0x32: {  	s25 =	simm.s32 $0x0;
	[sflag:s15] =	ssyncadd.s32 $0xFFFFFE00  }
0x33: {  	v3 =	vld [tilespmem:s25+$0x3600]  }
0x34: {  	v4 =	vld [tilespmem:s25+$0x3800];
	_ =	sdelay $0x4  }
0x35: {  	v8 =	vld.idx.msk [tilespmem:v1+s25+$0x0 ss:$0x1], $0xffff  }
0x36: {  	v9 =	vld.idx.msk [tilespmem:v0+s25+$0x0 ss:$0x1], $0xffff  }
0x37: {  	v5 =	vld.idx.msk [tilespmem:v3+s17+$0x0], $0xffff  }
0x38: {  	v6 =	vld.idx.msk [tilespmem:v4+s16+$0x0], $0xffff  }
0x39: {  	v7 =	vld.idx.msk [tilespmem:v3+s16+$0x0], $0xffff  }
0x3a: {  	v3 =	vld.idx.msk [tilespmem:v3+s2+$0x0], $0xffff  }
0x3b: {  	v11 =	vld.idx.msk [tilespmem:v4+s2+$0x0], $0xffff  }
0x3c: {  	v10 =	vld.idx.msk [tilespmem:v2+s25+$0x0 ss:$0x1], $0xffff  }
0x3d: {  	v4 =	vld.idx.msk [tilespmem:v4+s17+$0x0], $0xffff;
	_ =	sdelay $0x1  }
0x3e: {  	v3 =	vsub.f32 v3, v9;
	v7 =	vsub.f32 v7, v8  }
0x3f: {  	v6 =	vsub.f32 v6, v8;
	v9 =	vsub.f32 v11, v9  }
0x40: {  	v5 =	vsub.f32 v5, v10;
	v52 =	vmul.f32 v3, v3;
	v12 =	vmul.f32 v7, v7  }
0x41: {  	v4 =	vsub.f32 v4, v10;
	v54 =	vmul.f32 v9, v9;
	v55 =	vmul.f32 v6, v6  }
0x42: {  	v53 =	vmul.f32 v5, v5;
	v8 =	vadd.f32 v12, v52  }
0x43: {  	v56 =	vmul.f32 v4, v4;
	v10 =	vadd.f32 v55, v54  }
0x44: {  	v8 =	vadd.f32 v53, v8  }
0x45: {  	v10 =	vadd.f32 v56, v10  }
0x46: {  	v57 =	vshra.s32 v8, $0x1;
	v8 =	vmul.f32 $5.000000000e-01, v8  }
0x47: {  	v13 =	vshra.s32 v10, $0x1;
	v10 =	vmul.f32 $5.000000000e-01, v10;
	v58 =	vsub.s32 $0x5F3759DF, v57  }
0x48: {  	v13 =	vsub.s32 $0x5F3759DF, v13;
	v12 =	vmul.f32 v58, v8  }
0x49: {  	v14 =	vmul.f32 v13, v10  }
0x4a: {  	v12 =	vmul.f32 v58, v12  }
0x4b: {  	v14 =	vmul.f32 v13, v14  }
0x4c: {  	v12 =	vsub.f32 $1.500000000e+00, v12  }
0x4d: {  	v59 =	vsub.f32 $1.500000000e+00, v14  }
0x4e: {  	v11 =	vmul.f32 v58, v12  }
0x4f: {  	v12 =	vmul.f32 v13, v59  }
0x50: {  	v60 =	vmul.f32 v11, v8  }
0x51: {  	v16 =	vld [tilespmem:s25+$0x3000];
	v15 =	vmul.f32 v12, v10  }
0x52: {  	v17 =	vld [tilespmem:s25+$0x3200];
	v14 =	vmul.f32 v60, v11  }
0x53: {  	v61 =	vld [tilespmem:s25+$0x3400];
	v15 =	vmul.f32 v15, v12  }
0x54: {  	v14 =	vsub.f32 $1.500000000e+00, v14  }
0x55: {  	v62 =	vsub.f32 $1.500000000e+00, v15  }
0x56: {  	v3 =	vmul.f32 v3, v16;
	v11 =	vmul.f32 v14, v11  }
0x57: {  	v7 =	vmul.f32 v7, v17;
	v12 =	vmul.f32 v62, v12  }
0x58: {  	v5 =	vmul.f32 v5, v61;
	v8 =	vmul.f32 v11, v8  }
0x59: {  	v6 =	vmul.f32 v6, v17;
	v3 =	vadd.f32 v7, v3;
	v10 =	vmul.f32 v12, v10  }
0x5a: {  	v7 =	vmul.f32 v9, v16;
	v8 =	vmul.f32 v8, v11  }
0x5b: {  	v3 =	vadd.f32 v5, v3;
	v63 =	vmul.f32 v10, v12  }
0x5c: {  	v4 =	vmul.f32 v4, v61;
	v5 =	vadd.f32 v6, v7;
	v8 =	vsub.f32 $1.500000000e+00, v8  }
0x5d: {  	v7 =	vsub.f32 $1.500000000e+00, v63  }
0x5e: {  	v4 =	vadd.f32 v4, v5;
	v6 =	vmul.f32 v8, v11  }
0x5f: {  	v3 =	vand.u32 $0x7FFFFFFF, v3;
	v5 =	vmul.f32 v7, v12  }
0x60: {  	s28 =	simm.s32 $0x10;
	v4 =	vand.u32 $0x7FFFFFFF, v4;
	v3 =	vmul.f32 v6, v3  }
0x61: {  	v5 =	vmul.f32 v5, v4;
	v4 =	vld [tilespmem:s28+$0x3600]  }
0x62: {  	v6 =	vadd.f32 $0.0e+00, v3;
	v3 =	vld [tilespmem:s28+$0x3800];
	_ =	sdelay $0x1  }
0x63: {  	v5 =	vadd.f32 v5, v6  }
0x64: {  	s26 =	simm.s32 $0x80  }
.LBB2_2:
0x65: {  	p0 =	sne.s32 s26, $0x7C0;
	v5 =	vmul.f32 $5.000000000e-01, v5;
	_ =	sdelay $0x1  }
0x66: {  	[tilespmem:s25+$0x3A00] =	vst v5;
	s25 =	smov.u32 s28  }
0x67: {  	v5 =	vld.idx.msk [tilespmem:v4+s17+$0x0], $0xffff  }
0x68: {  	v6 =	vld.idx.msk [tilespmem:v3+s16+$0x0], $0xffff  }
0x69: {  	v7 =	vld.idx.msk [tilespmem:v4+s16+$0x0], $0xffff  }
0x6a: {  	v4 =	vld.idx.msk [tilespmem:v4+s2+$0x0], $0xffff  }
0x6b: {  	v8 =	vld.idx.msk [tilespmem:v1+s25+$0x0 ss:$0x1], $0xffff  }
0x6c: {  	v9 =	vld.idx.msk [tilespmem:v0+s25+$0x0 ss:$0x1], $0xffff  }
0x6d: {  	v10 =	vld.idx.msk [tilespmem:v2+s25+$0x0 ss:$0x1], $0xffff  }
0x6e: {  	v11 =	vld.idx.msk [tilespmem:v3+s2+$0x0], $0xffff  }
0x6f: {  	v3 =	vld.idx.msk [tilespmem:v3+s17+$0x0], $0xffff;
	_ =	sdelay $0x2  }
0x70: {  	v7 =	vsub.f32 v7, v8;
	v4 =	vsub.f32 v4, v9  }
0x71: {  	v6 =	vsub.f32 v6, v8;
	v5 =	vsub.f32 v5, v10  }
0x72: {  	v12 =	vmul.f32 v7, v7;
	v8 =	vmul.f32 v4, v4;
	v9 =	vsub.f32 v11, v9  }
0x73: {  	v11 =	vmul.f32 v5, v5;
	v3 =	vsub.f32 v3, v10  }
0x74: {  	v8 =	vadd.f32 v12, v8;
	v10 =	vmul.f32 v9, v9;
	v12 =	vmul.f32 v6, v6;
	_ =	sdelay $0x1  }
0x75: {  	v8 =	vadd.f32 v11, v8;
	v10 =	vadd.f32 v12, v10;
	v11 =	vmul.f32 v3, v3;
	_ =	sdelay $0x1  }
0x76: {  	v12 =	vshra.s32 v8, $0x1;
	v8 =	vmul.f32 $5.000000000e-01, v8;
	v10 =	vadd.f32 v11, v10  }
0x77: {  	v11 =	vsub.s32 $0x5F3759DF, v12  }
0x78: {  	v12 =	vmul.f32 v11, v8;
	v13 =	vshra.s32 v10, $0x1;
	v10 =	vmul.f32 $5.000000000e-01, v10  }
0x79: {  	v13 =	vsub.s32 $0x5F3759DF, v13  }
0x7a: {  	v12 =	vmul.f32 v11, v12;
	v14 =	vmul.f32 v13, v10;
	_ =	sdelay $0x1  }
0x7b: {  	v12 =	vsub.f32 $1.500000000e+00, v12;
	v14 =	vmul.f32 v13, v14;
	_ =	sdelay $0x1  }
0x7c: {  	v11 =	vmul.f32 v11, v12;
	v12 =	vsub.f32 $1.500000000e+00, v14;
	_ =	sdelay $0x1  }
0x7d: {  	v14 =	vmul.f32 v11, v8;
	v12 =	vmul.f32 v13, v12;
	_ =	sdelay $0x1  }
0x7e: {  	v14 =	vmul.f32 v14, v11;
	v15 =	vmul.f32 v12, v10;
	v13 =	vld [tilespmem:s25+$0x3400]  }
0x7f: {  	v16 =	vld [tilespmem:s25+$0x3000]  }
0x80: {  	v14 =	vsub.f32 $1.500000000e+00, v14;
	v15 =	vmul.f32 v15, v12;
	v17 =	vld [tilespmem:s25+$0x3200];
	_ =	sdelay $0x1  }
0x81: {  	v11 =	vmul.f32 v14, v11;
	v14 =	vsub.f32 $1.500000000e+00, v15  }
0x82: {  	v5 =	vmul.f32 v5, v13  }
0x83: {  	v8 =	vmul.f32 v11, v8;
	v12 =	vmul.f32 v14, v12  }
0x84: {  	v4 =	vmul.f32 v4, v16;
	v7 =	vmul.f32 v7, v17  }
0x85: {  	v8 =	vmul.f32 v8, v11;
	v10 =	vmul.f32 v12, v10  }
0x86: {  	v6 =	vmul.f32 v6, v17;
	v4 =	vadd.f32 v7, v4;
	v7 =	vmul.f32 v9, v16  }
0x87: {  	v8 =	vsub.f32 $1.500000000e+00, v8;
	v9 =	vmul.f32 v10, v12  }
0x88: {  	v3 =	vmul.f32 v3, v13;
	v4 =	vadd.f32 v5, v4;
	v5 =	vadd.f32 v6, v7  }
0x89: {  	v6 =	vmul.f32 v8, v11;
	v7 =	vsub.f32 $1.500000000e+00, v9  }
0x8a: {  	v4 =	vand.u32 $0x7FFFFFFF, v4;
	v3 =	vadd.f32 v3, v5  }
0x8b: {  	s28 =	sshra.s32 s26, $0x2;
	v5 =	vmul.f32 v6, v4;
	v6 =	vmul.f32 v7, v12  }
.Ltmp0:
0x8c: {  	v4 =	vld [tilespmem:s28+$0x3600];
	v7 =	vand.u32 $0x7FFFFFFF, v3;
	(pc) =	sbr.rel @p0 .LBB2_2-.Ltmp0, $3  }
0x8d: {  	v3 =	vld [tilespmem:s28+$0x3800];
	v5 =	vadd.f32 $0.0e+00, v5;
	v6 =	vmul.f32 v6, v7;
	_ =	sdelay $0x1  }
0x8e: {  	v5 =	vadd.f32 v6, v5  }
0x8f: {  	s26 =	sadd.s32 $0x40, s26  }
0x90: {  	_ = 	snop  }
0x91: {  	v5 =	vmul.f32 $5.000000000e-01, v5;
	_ =	sdelay $0x1  }
0x92: {  	[tilespmem:s25+$0x3A00] =	vst v5  }
0x93: {  	v5 =	vld.idx.msk [tilespmem:v4+s17+$0x0], $0xffff  }
0x94: {  	v6 =	vld.idx.msk [tilespmem:v3+s16+$0x0], $0xffff  }
0x95: {  	v7 =	vld.idx.msk [tilespmem:v4+s16+$0x0], $0xffff  }
0x96: {  	v46 =	vld.idx.msk [tilespmem:v4+s2+$0x0], $0xffff  }
0x97: {  	v8 =	vld.idx.msk [tilespmem:v1+s28+$0x0 ss:$0x1], $0xffff  }
0x98: {  	v9 =	vld.idx.msk [tilespmem:v0+s28+$0x0 ss:$0x1], $0xffff  }
0x99: {  	v10 =	vld.idx.msk [tilespmem:v2+s28+$0x0 ss:$0x1], $0xffff  }
0x9a: {  	v11 =	vld.idx.msk [tilespmem:v3+s2+$0x0], $0xffff  }
0x9b: {  	v3 =	vld.idx.msk [tilespmem:v3+s17+$0x0], $0xffff;
	_ =	sdelay $0x1  }
0x9c: {  	v4 =	vsub.f32 v46, v9;
	v7 =	vsub.f32 v7, v8  }
0x9d: {  	v5 =	vsub.f32 v5, v10;
	v6 =	vsub.f32 v6, v8  }
0x9e: {  	v9 =	vsub.f32 v11, v9;
	v47 =	vmul.f32 v4, v4;
	v12 =	vmul.f32 v7, v7  }
0x9f: {  	v3 =	vsub.f32 v3, v10;
	v48 =	vmul.f32 v5, v5  }
0xa0: {  	v49 =	vmul.f32 v9, v9;
	v50 =	vmul.f32 v6, v6;
	v8 =	vadd.f32 v12, v47;
	_ =	sdelay $0x1  }
0xa1: {  	v51 =	vmul.f32 v3, v3;
	v10 =	vadd.f32 v50, v49;
	v8 =	vadd.f32 v48, v8;
	_ =	sdelay $0x1  }
0xa2: {  	v10 =	vadd.f32 v51, v10;
	v52 =	vshra.s32 v8, $0x1;
	v8 =	vmul.f32 $5.000000000e-01, v8  }
0xa3: {  	v53 =	vsub.s32 $0x5F3759DF, v52  }
0xa4: {  	v13 =	vshra.s32 v10, $0x1;
	v10 =	vmul.f32 $5.000000000e-01, v10;
	v12 =	vmul.f32 v53, v8  }
0xa5: {  	v13 =	vsub.s32 $0x5F3759DF, v13  }
0xa6: {  	v14 =	vmul.f32 v13, v10;
	v12 =	vmul.f32 v53, v12;
	_ =	sdelay $0x1  }
0xa7: {  	v14 =	vmul.f32 v13, v14;
	v12 =	vsub.f32 $1.500000000e+00, v12;
	_ =	sdelay $0x1  }
0xa8: {  	v54 =	vsub.f32 $1.500000000e+00, v14;
	v11 =	vmul.f32 v53, v12;
	_ =	sdelay $0x1  }
0xa9: {  	v12 =	vmul.f32 v13, v54;
	v55 =	vmul.f32 v11, v8;
	_ =	sdelay $0x1  }
0xaa: {  	v56 =	vld [tilespmem:s28+$0x3400];
	v15 =	vmul.f32 v12, v10;
	v14 =	vmul.f32 v55, v11  }
0xab: {  	v16 =	vld [tilespmem:s28+$0x3000]  }
0xac: {  	v17 =	vld [tilespmem:s28+$0x3200];
	v15 =	vmul.f32 v15, v12;
	v14 =	vsub.f32 $1.500000000e+00, v14;
	_ =	sdelay $0x1  }
0xad: {  	v57 =	vsub.f32 $1.500000000e+00, v15;
	v11 =	vmul.f32 v14, v11  }
0xae: {  	v5 =	vmul.f32 v5, v56  }
0xaf: {  	v12 =	vmul.f32 v57, v12;
	v8 =	vmul.f32 v11, v8  }
0xb0: {  	v4 =	vmul.f32 v4, v16;
	v7 =	vmul.f32 v7, v17  }
0xb1: {  	v10 =	vmul.f32 v12, v10;
	v8 =	vmul.f32 v8, v11  }
0xb2: {  	v58 =	vmul.f32 v9, v16;
	v6 =	vmul.f32 v6, v17;
	v4 =	vadd.f32 v7, v4  }
0xb3: {  	v59 =	vmul.f32 v10, v12;
	v8 =	vsub.f32 $1.500000000e+00, v8  }
0xb4: {  	v3 =	vmul.f32 v3, v56;
	v60 =	vadd.f32 v6, v58;
	v4 =	vadd.f32 v5, v4  }
0xb5: {  	v62 =	vsub.f32 $1.500000000e+00, v59;
	v61 =	vmul.f32 v8, v11  }
0xb6: {  	v3 =	vadd.f32 v3, v60;
	v4 =	vand.u32 $0x7FFFFFFF, v4  }
0xb7: {  	v63 =	vmul.f32 v62, v12;
	v4 =	vmul.f32 v61, v4  }
0xb8: {  	v3 =	vand.u32 $0x7FFFFFFF, v3  }
0xb9: {  	v3 =	vmul.f32 v63, v3;
	v4 =	vadd.f32 $0.0e+00, v4;
	_ =	sdelay $0x1  }
0xba: {  	v3 =	vadd.f32 v3, v4;
	_ =	sdelay $0x1  }
0xbb: {  	s24 =	sadd.s32 $0x1, s24;
	v3 =	vmul.f32 $5.000000000e-01, v3  }
0xbc: {  	p0 =	sne.s32 s24, s12  }
.Ltmp1:
0xbd: {  	[tilespmem:s28+$0x3A00] =	vst v3;
	(pc) =	sbr.rel @p0 .LBB2_1-.Ltmp1, $4  }
0xbe: {  	[hbm4b:s11+s13] =	stream.strided.scatter [tilespmem:s23], [sflag:$0x1], $0x200, s14, s13, $0x38;
	[tilespmem:$0x3C00] =	vst v63  }
0xbf: {  	_ =	swait.ge [sflag:s15], $0x200  }
0xc0: {  	[sflag:s15] =	ssyncset.done $0x0  }
0xc1: {  	[sflag:s15] =	ssyncadd.s32 $0xFFFFFE00  }
0xc2: {  	_ =	sfence.sel $0x180000  }
0xc3: {  	[bflag:$0x0] =	sbarrier.arrive $0xFFFF  }
0xc4: {  	p0 =	sne.s32 s0, $0x0;
	_ =	strace $0x90000047  }
0xc5: {  	s0 =	sadd.s32 @!p0 $0x100000, s1;
	[bflag:$0x2] =	sbarrier.arrive $0xFFFF  }
0xc6: {  	[sflag:s0] =	ssyncadd.tile.s32 @!p0 $0x1;
	_ =	shalt  }
.Lfunc_end2:
_tile_overlayer_lowered:
.L_overlay_start_2:
0xc7: {  	(tag) =	ssettag $0x2  }
0xc8: {  	s0 =	rddreg [dreg:$0x0];
	s2 =	stileid.u32  }
0xc9: {  	s1 =	rddreg [dreg:$0x1];
	p0 =	sne.s32 s2, $0x0  }
0xca: {  	s3 =	rddreg [dreg:$0x2];
	[bflag:$0x3] =	sbarrier.arrive $0xFFFF;
	s2 =	simm.s32 @!p0 $0x1C01  }
0xcb: {  	[timem:s3], [sflag:s2] =	dma.local @!p0 [hbm:s0], s1  }
0xcc: {  	s0 =	simm.s32 @!p0 $0x1  }
0xcd: {  	_ =	swait.ge @!p0 [sflag:s0], s1  }
0xce: {  	s1 =	ssub.s32 @!p0 $0x0, s1;
	[sflag:s0] =	ssyncset.done @!p0 $0x0  }
0xcf: {  	[sflag:s0] =	ssyncadd.s32 @!p0 s1  }
0xd0: {  	[bflag:$0x3] =	sbarrier.arrive $0xFFFF  }
0xd1: {  	_ =	shalt  }

// kernel: kernel.9.cloned.1.call-start
scs
__scs_entry_jumppad:
0x0: {  	(pc) =	sbr.rel $0x88, $3  }
0x1: {  	(tag) =	ssettag $0x0;
	lr =	simm.s32 $0x1  }
0x2: {  	[smem:$0x3F9E] =	sst lr;
	_ =	strace $0xD0000000  }
0x3: {  	_ = 	snop  }
0x4: {  	_ = 	snop  }
0x5: {  	_ = 	snop  }
0x6: {  	_ = 	snop  }
0x7: {  	_ = 	snop  }
__scs_overlays_trampoline_lowered:
0x8: {  	[smem:$0x3FAD] =	sst s0  }
0x9: {  	[smem:$0x3FAE] =	sst s1  }
0xa: {  	[smem:$0x3FAF] =	sst s2  }
0xb: {  	[smem:$0x3FB0] =	sst s3  }
0xc: {  	[smem:$0x3FB1] =	sst s4  }
0xd: {  	[smem:$0x3FB2] =	sst s5  }
0xe: {  	[smem:$0x3FB3] =	sst s6  }
0xf: {  	[smem:$0x3FB4] =	sst s7  }
0x10: {  	[smem:$0x3FB5] =	sst s8  }
0x11: {  	[smem:$0x3FB6] =	sst s9;
	s0 =	simm.s32 @!p0 $0x0  }
0x12: {  	s1 =	sld [smem:$0x3F9C];
	s0 =	simm.s32 @p0 $0x1  }
0x13: {  	[smem:$0x3FB7] =	sst s0;
	s0 =	simm.s32 @!p1 $0x0  }
0x14: {  	s2 =	sld [smem:$0x3F9B];
	s0 =	simm.s32 @p1 $0x1  }
0x15: {  	[smem:$0x3FB8] =	sst s0;
	s0 =	simm.s32 @!p2 $0x0  }
0x16: {  	s3 =	sld [smem:$0x3FDB];
	s0 =	simm.s32 @p2 $0x1  }
0x17: {  	s4 =	simm.s32 $0x1BF5;
	[smem:$0x3FBA] =	sst s0  }
0x18: {  	s0 =	sld [smem:$0x3F9D];
	_ =	swait.ge [sflag:s4], $0x0  }
0x19: {  	s7 =	sld [smem:$0x3F9E]  }
0x1a: {  	s8 =	sadd.s32 $0xFFFFE003, lr  }
0x1b: {  	s9 =	sadd.s32 $0xFFFFFEF7, lr;
	s5 =	simm.s32 $0xFFFFFFFF;
	p2 =	slt.u32 s8, $0xFFFFF086  }
0x1c: {  	p1 =	slt.u32 s9, $0xF7A;
	s5 =	simm.s32 @!p2 $0x0  }
0x1d: {  	s5 =	simm.s32 @p1 $0x1;
	p0 =	seq.s32 s7, s2  }
0x1e: {  	s7 =	smul.u32 @!p0 $0xF7A, s2;
	p2 =	seq.s32 @!p0 s5, $0x0  }
0x1f: {  	s9 =	smul.u32 $0xF7A, s1;
	s8 =	simm.s32 @!p0 $0x1BF5;
	p2 =	por !p2, p0  }
0x20: {  	[sflag:s8] =	ssyncset.s32 @!p0 $0xFFFFF086;
	s6 =	sadd.s32 @!p0 s3, s7;
	s7 =	simm.s32 @!p0 $0x108  }
0x21: {  	s3 =	sadd.s32 s3, s9;
	s6 =	sadd.s32 @!p0 $0x88, s6;
	s7 =	simm.s32 @p2 $0x1082  }
0x22: {  	[simem:s7], [sflag:s8] =	dma.local @!p0 [hbm:s6], $0xF7A  }
0x23: {  	s9 =	sor.u32 $0xD0000000, s2;
	s6 =	simm.s32 $0x108;
	_ =	swait.ge @!p0 [sflag:s8], $0x0  }
0x24: {  	s3 =	sadd.s32 $0x88, s3;
	s6 =	simm.s32 @!p1 $0x1082;
	[sflag:s4] =	ssyncset.s32 $0xFFFFF086  }
0x25: {  	[simem:s6], [sflag:s4] =	dma.local [hbm:s3], $0xF7A  }
0x26: {  	[smem:$0x3F9E] =	sst s1;
	(tag) =	ssettag s2;
	_ =	strace s9  }
0x27: {  	s1 =	sld [smem:$0x3FAE]  }
0x28: {  	s2 =	sld [smem:$0x3FAF]  }
0x29: {  	s4 =	sld [smem:$0x3FB1]  }
0x2a: {  	p0 =	seq.s32 s5, $0x0;
	s5 =	sld [smem:$0x3FB2]  }
0x2b: {  	s6 =	sld [smem:$0x3FB3]  }
0x2c: {  	s7 =	sld [smem:$0x3FB4]  }
0x2d: {  	s3 =	simm.s32 $0x108;
	s8 =	sld [smem:$0x3FB5]  }
0x2e: {  	s3 =	simm.s32 @!p0 $0x1082;
	s9 =	sld [smem:$0x3FB6]  }
0x2f: {  	lr =	sadd.s32 s0, s3;
	s0 =	sld [smem:$0x3FAD]  }
0x30: {  	s3 =	sld [smem:$0x3FB0]  }
0x31: {  	[smem:$0x3FB9] =	sst s10  }
0x32: {  	s10 =	sld [smem:$0x3FB7];
	_ =	sdelay $0x3  }
0x33: {  	p0 =	seq.s32 s10, $0x1;
	s10 =	sld [smem:$0x3FB9];
	_ =	sdelay $0x3  }
0x34: {  	[smem:$0x3FB9] =	sst s10  }
0x35: {  	s10 =	sld [smem:$0x3FB8];
	_ =	sdelay $0x3  }
0x36: {  	p1 =	seq.s32 s10, $0x1;
	s10 =	sld [smem:$0x3FB9];
	_ =	sdelay $0x3  }
0x37: {  	[smem:$0x3FB9] =	sst s10  }
0x38: {  	s10 =	sld [smem:$0x3FBA]  }
0x39: {  	_ = 	snop;
	(pc) =	sbr.ind lr, $3  }
0x3a: {  	_ = 	snop  }
0x3b: {  	_ = 	snop  }
0x3c: {  	p2 =	seq.s32 s10, $0x1;
	s10 =	sld [smem:$0x3FB9]  }
0x3d: {  	_ =	shalt  }
0x3e: {  	_ =	shalt  }
0x3f: {  	_ =	shalt  }
0x40: {  	_ =	shalt  }
0x41: {  	_ =	shalt  }
0x42: {  	_ =	shalt  }
0x43: {  	_ =	shalt  }
0x44: {  	_ =	shalt  }
0x45: {  	_ =	shalt  }
0x46: {  	_ =	shalt  }
0x47: {  	_ =	shalt  }
0x48: {  	_ =	shalt  }
0x49: {  	_ =	shalt  }
0x4a: {  	_ =	shalt  }
0x4b: {  	_ =	shalt  }
0x4c: {  	_ =	shalt  }
0x4d: {  	_ =	shalt  }
0x4e: {  	_ =	shalt  }
0x4f: {  	_ =	shalt  }
0x50: {  	_ =	shalt  }
0x51: {  	_ =	shalt  }
0x52: {  	_ =	shalt  }
0x53: {  	_ =	shalt  }
0x54: {  	_ =	shalt  }
0x55: {  	_ =	shalt  }
0x56: {  	_ =	shalt  }
0x57: {  	_ =	shalt  }
0x58: {  	_ =	shalt  }
0x59: {  	_ =	shalt  }
0x5a: {  	_ =	shalt  }
0x5b: {  	_ =	shalt  }
0x5c: {  	_ =	shalt  }
0x5d: {  	_ =	shalt  }
0x5e: {  	_ =	shalt  }
0x5f: {  	_ =	shalt  }
0x60: {  	_ =	shalt  }
0x61: {  	_ =	shalt  }
0x62: {  	_ =	shalt  }
0x63: {  	_ =	shalt  }
0x64: {  	_ =	shalt  }
0x65: {  	_ =	shalt  }
0x66: {  	_ =	shalt  }
0x67: {  	_ =	shalt  }
0x68: {  	_ =	shalt  }
0x69: {  	_ =	shalt  }
0x6a: {  	_ =	shalt  }
0x6b: {  	_ =	shalt  }
0x6c: {  	_ =	shalt  }
0x6d: {  	_ =	shalt  }
0x6e: {  	_ =	shalt  }
0x6f: {  	_ =	shalt  }
0x70: {  	_ =	shalt  }
0x71: {  	_ =	shalt  }
0x72: {  	_ =	shalt  }
0x73: {  	_ =	shalt  }
0x74: {  	_ =	shalt  }
0x75: {  	_ =	shalt  }
0x76: {  	_ =	shalt  }
0x77: {  	_ =	shalt  }
0x78: {  	_ =	shalt  }
0x79: {  	_ =	shalt  }
0x7a: {  	_ =	shalt  }
0x7b: {  	_ =	shalt  }
0x7c: {  	_ =	shalt  }
0x7d: {  	_ =	shalt  }
0x7e: {  	_ =	shalt  }
0x7f: {  	_ =	shalt  }
0x80: {  	_ =	shalt  }
0x81: {  	_ =	shalt  }
0x82: {  	_ =	shalt  }
0x83: {  	_ =	shalt  }
0x84: {  	_ =	shalt  }
0x85: {  	_ =	shalt  }
0x86: {  	_ =	shalt  }
0x87: {  	_ =	shalt  }
.Lfunc_end0:
.L_simem_size_0:
called_computation.1_lowered:
.L_overlay_start_0:
0x88: {  	s2 =	sld [smem:$0x3FD9]  }
0x89: {  	s3 =	sld [smem:$0x3FFE];
	_ =	sdelay $0x1  }
0x8a: {  	s1 =	srdreg.scid  }
0x8b: {  	s0 =	sand.u32 $0x1, s1  }
0x8c: {  	s16 =	sshll.u32 s0, $0xA;
	s2 =	sadd.s32 s3, s2  }
0x8d: {  	s2 =	sadd.s32 s2, s16  }
0x8e: {  	[smem:$0x3FC5] =	sst s2  }
0x8f: {  	_ = 	snop  }
0x90: {  	(tm) =	ssettm $0x1  }
0x91: {  	s17 =	sld [smem:$0x3FFB];
	_ =	sdelay $0x3  }
0x92: {  	_ =	strace s17  }
0x93: {  	s2 =	sld [smem:$0x3FFC];
	_ =	sdelay $0x3  }
0x94: {  	_ =	strace s2  }
0x95: {  	s2 =	sld [smem:$0x3FFD];
	_ =	sdelay $0x3  }
0x96: {  	_ =	strace s2  }
0x97: {  	_ =	strace $0x8FFFFFFF  }
0x98: {  	s18 =	sld [smem:$0x3FDB];
	_ =	sdelay $0x1  }
0x99: {  	s19 =	simm.s32 $_scs_section_size  }
0x9a: {  	s4 =	simm.s32 $_size__tile_overlayer_lowered;
	s5 =	simm.s32 $_tile_overlayer_lowered  }
0x9b: {  	s22 =	simm.s32 $0x1BFF;
	s21 =	sshll.u32 s5, $0x1;
	s2 =	sadd.s32 s19, s18  }
0x9c: {  	s6 =	simm.s32 $0x0;
	s20 =	sshll.u32 s4, $0x1;
	s4 =	sadd.s32 s21, s2  }
0x9d: {  	[timem:s6], [sflag:s22] =	dma.local [hbm:s4], s20  }
0x9e: {  	_ =	swait.ge [sflag:s22], s20  }
0x9f: {  	s3 =	ssub.s32 $0x0, s20;
	[sflag:s22] =	ssyncset.done $0x0  }
0xa0: {  	[sflag:s22] =	ssyncadd.s32 s3;
	_ =	sdelay $0x1  }
0xa1: {  	s23 =	simm.s32 $0x1B8B  }
0xa2: {  	_ =	swait.ge [sflag:s23], $0x1  }
0xa3: {  	[sflag:s23] =	ssyncset.done $0x0  }
0xa4: {  	s25 =	simm.s32 $0x1B8E;
	s24 =	sld [smem:$0x3FFE];
	[sflag:s23] =	ssyncadd.s32 $0xFFFFFFFF  }
0xa5: {  	s26 =	simm.s32 $execute0_lowered;
	[smem:$0x3FD2] =	sst s25  }
0xa6: {  	s4 =	sshll.u32 s26, $0x1;
	_ =	strace $0x80000049;
	[dreg:$0x1] =	wrdreg $0xFFFFFFFF  }
0xa7: {  	s28 =	simm.s32 $_size_execute0_lowered;
	s2 =	sadd.s32 s2, s4;
	[dreg:$0x0] =	wrdreg $0x0  }
0xa8: {  	s4 =	sshll.u32 s28, $0x1;
	[dreg:$0x2] =	wrdreg s2  }
0xa9: {  	[dreg:$0x3] =	wrdreg s4  }
0xaa: {  	[dreg:$0x4] =	wrdreg $0xC0  }
0xab: {  	_ =	task [dreg:s6], $0x5FFFF  }
0xac: {  	[dreg:$0x1] =	wrdreg $0xFFFFFFFF  }
0xad: {  	[dreg:$0x0] =	wrdreg $0x60  }
0xae: {  	[dreg:$0x2] =	wrdreg s24  }
0xaf: {  	[dreg:$0x3] =	wrdreg $0x9  }
0xb0: {  	_ =	task.clear_ibuf [dreg:s6], $0x4FFFF;
	_ =	strace $0x90000049  }
0xb1: {  	s29 =	simm.s32 $0x9;
	_ =	strace $0x8000004B  }
0xb2: {  	_ =	swait.ge [sflag:s29], $0x1  }
0xb3: {  	[sflag:s29] =	ssyncadd.s32 $0xFFFFFFFF  }
0xb4: {  	_ =	strace $0x9000004B  }
0xb5: {  	_ =	sfence  }
0xb6: {  	s30 =	sld [smem:$0x0];
	_ =	sdelay $0x2  }
0xb7: {  	s31 =	sshll.u32 s1, $0xD;
	s1 =	sshrl.u32 s1, $0x2  }
0xb8: {  	s3 =	sand.u32 $0x4000, s31;
	s1 =	sadd.s32 s1, s30  }
0xb9: {  	s0 =	sor.u32 s3, s0;
	s1 =	sshll.u32 s1, $0x11  }
0xba: {  	s0 =	sor.u32 s1, s0  }
0xbb: {  	s0 =	sadd.s32 $0x8F2B, s0  }
0xbc: {  	[sflag:s0] =	ssyncadd.remote.s32 $0x1  }
0xbd: {  	_ =	sfence.sel $0xFFFF  }
0xbe: {  	[dreg:$0x0] =	wrdreg $0xFFFFFFFF;
	(pc) =	sbr.abs _section_cstart, $3  }
0xbf: {  	[dreg:$0x1] =	wrdreg $0xFFFFFFFF  }
0xc0: {  	_ =	task.clear_ibuf [dreg:s6], $0x2FFFF;
	_ =	strace $0x9FFFFFFF  }
0xc1: {  	(tm) =	ssettm $0x7FFFFFFF  }
tec
execute0_lowered:
.L_overlay_start_1:
0x0: {  	(tag) =	ssettag $0x1  }
0x1: {  	s0 =	stileid.u32  }
0x2: {  	s1 =	srdreg.scid;
	s3 =	rddreg [dreg:$0x0];
	s16 =	simm.s32 $0x200  }
0x3: {  	s17 =	simm.s32 $0x1;
	s18 =	simm.s32 $0x1000;
	s19 =	simm.s32 $0x2000  }
0x4: {  	s20 =	simm.s32 $0x3000;
	s21 =	simm.s32 $0x4000;
	s22 =	simm.s32 $0x5000  }
0x5: {  	s23 =	simm.s32 $0x6000;
	s24 =	simm.s32 $0x7000;
	s25 =	simm.s32 $0x7200  }
0x6: {  	s4 =	sand.u32 $0x1, s1;
	s2 =	sshll.u32 s0, $0x1;
	s5 =	sshll.u32 s0, $0x5  }
0x7: {  	s6 =	sor.u32 s4, s2;
	s2 =	simm.s32 $0x0;
	s5 =	sand.u32 $0x180, s5  }
0x8: {  	s4 =	ssub.s32 $0x2, s4;
	s13 =	sand.u32 $0x7, s6;
	[smem:$0x7FF] =	sst s2  }
0x9: {  	s7 =	sshrl.u32 s5, $0x3;
	s6 =	sshll.u32 s6, $0x4;
	s31 =	sshrl.u32 s4, $0x1  }
0xa: {  	s8 =	sshll.u32 s13, $0xB;
	_ =	strace $0x8000004A;
	s9 =	sadd.s32 s7, s3  }
0xb: {  	s14 =	sadd.s32 s6, s3;
	s15 =	ssub.s32 s4, s31;
	s26 =	sshll.u32 s13, $0x9  }
0xc: {  	s5 =	sor.u32 s5, s8;
	s4 =	sadd.s32 $0x6000, s9;
	s6 =	sadd.s32 $0x3800, s9  }
0xd: {  	s7 =	sadd.s32 $0x3000, s9;
	s8 =	sadd.s32 $0x2800, s9;
	s13 =	sadd.s32 $0x4000, s14  }
0xe: {  	s14 =	smax.u32 s15, $0x1;
	s28 =	sor.u32 $0x1000, s26;
	s29 =	sor.u32 $0x2000, s26  }
0xf: {  	s15 =	simm.s32 $0x80;
	v0 =	vmov s26;
	s26 =	simm.s32 $0x7400;
	s5 =	sshrl.u32 s5, $0x3  }
0x10: {  	v1 =	vmov s28;
	v2 =	vmov s29;
	s28 =	simm.s32 $0x7600;
	s29 =	simm.s32 $0x0;
	s12 =	sadd.s32 s5, s3  }
0x11: {  	s3 =	sadd.s32 $0x6800, s9;
	s5 =	sadd.s32 $0x5800, s9;
	s9 =	sadd.s32 $0x5000, s9  }
0x12: {  	s10 =	sadd.s32 $0x7800, s12;
	s11 =	sadd.s32 $0x7000, s12;
	s12 =	sadd.s32 $0x8000, s12  }
.LBB2_1:
0x13: {  	[tilespmem:s2], [sflag:$0x1] =	stream.strided.gather [hbm4b:s3+s15], $0x1000, s16, s15, $0x38;
	[tilespmem:$0x7680] =	vst v63  }
0x14: {  	_ =	swait.ge [sflag:s17], $0x1000  }
0x15: {  	[sflag:s17] =	ssyncset.done $0x0  }
0x16: {  	[sflag:s17] =	ssyncadd.s32 $0xFFFFF000  }
0x17: {  	[tilespmem:s18], [sflag:$0x1] =	stream.strided.gather [hbm4b:s4+s15], $0x1000, s16, s15, $0x38;
	[tilespmem:$0x7680] =	vst v63  }
0x18: {  	_ =	swait.ge [sflag:s17], $0x1000  }
0x19: {  	[sflag:s17] =	ssyncset.done $0x0  }
0x1a: {  	[sflag:s17] =	ssyncadd.s32 $0xFFFFF000  }
0x1b: {  	[tilespmem:s19], [sflag:$0x1] =	stream.strided.gather [hbm4b:s5+s15], $0x1000, s16, s15, $0x38;
	[tilespmem:$0x7680] =	vst v63  }
0x1c: {  	_ =	swait.ge [sflag:s17], $0x1000  }
0x1d: {  	[sflag:s17] =	ssyncset.done $0x0  }
0x1e: {  	[sflag:s17] =	ssyncadd.s32 $0xFFFFF000  }
0x1f: {  	[tilespmem:s20], [sflag:$0x1] =	stream.strided.gather [hbm4b:s6+s15], $0x1000, s16, s15, $0x38;
	[tilespmem:$0x7680] =	vst v63  }
0x20: {  	_ =	swait.ge [sflag:s17], $0x1000  }
0x21: {  	[sflag:s17] =	ssyncset.done $0x0  }
0x22: {  	[sflag:s17] =	ssyncadd.s32 $0xFFFFF000  }
0x23: {  	[tilespmem:s21], [sflag:$0x1] =	stream.strided.gather [hbm4b:s7+s15], $0x1000, s16, s15, $0x38;
	[tilespmem:$0x7680] =	vst v63  }
0x24: {  	_ =	swait.ge [sflag:s17], $0x1000  }
0x25: {  	[sflag:s17] =	ssyncset.done $0x0  }
0x26: {  	[sflag:s17] =	ssyncadd.s32 $0xFFFFF000  }
0x27: {  	[tilespmem:s22], [sflag:$0x1] =	stream.strided.gather [hbm4b:s8+s15], $0x1000, s16, s15, $0x38;
	[tilespmem:$0x7680] =	vst v63  }
0x28: {  	_ =	swait.ge [sflag:s17], $0x1000  }
0x29: {  	[sflag:s17] =	ssyncset.done $0x0  }
0x2a: {  	[sflag:s17] =	ssyncadd.s32 $0xFFFFF000  }
0x2b: {  	[tilespmem:s23], [sflag:$0x1] =	stream.strided.gather [hbm4b:s9+s15], $0x1000, s16, s15, $0x38;
	[tilespmem:$0x7680] =	vst v63  }
0x2c: {  	_ =	swait.ge [sflag:s17], $0x1000  }
0x2d: {  	[sflag:s17] =	ssyncset.done $0x0  }
0x2e: {  	[sflag:s17] =	ssyncadd.s32 $0xFFFFF000  }
0x2f: {  	[tilespmem:s24], [sflag:$0x1] =	stream.strided.gather [hbm4b:s10+s15], $0x200, s16, s15, $0x38;
	[tilespmem:$0x7680] =	vst v63  }
0x30: {  	_ =	swait.ge [sflag:s17], $0x200  }
0x31: {  	[sflag:s17] =	ssyncset.done $0x0  }
0x32: {  	[sflag:s17] =	ssyncadd.s32 $0xFFFFFE00  }
0x33: {  	[tilespmem:s25], [sflag:$0x1] =	stream.strided.gather [hbm4b:s11+s15], $0x200, s16, s15, $0x38;
	[tilespmem:$0x7680] =	vst v63  }
0x34: {  	_ =	swait.ge [sflag:s17], $0x200  }
0x35: {  	[sflag:s17] =	ssyncset.done $0x0  }
0x36: {  	[sflag:s17] =	ssyncadd.s32 $0xFFFFFE00  }
0x37: {  	[tilespmem:s26], [sflag:$0x1] =	stream.strided.gather [hbm4b:s12+s15], $0x200, s16, s15, $0x38;
	[tilespmem:$0x7680] =	vst v63  }
0x38: {  	_ =	swait.ge [sflag:s17], $0x200  }
0x39: {  	[sflag:s17] =	ssyncset.done $0x0  }
0x3a: {  	s30 =	simm.s32 $0x0;
	[sflag:s17] =	ssyncadd.s32 $0xFFFFFE00  }
0x3b: {  	v3 =	vld [tilespmem:s30+$0x7000];
	_ =	sdelay $0x2  }
0x3c: {  	v4 =	vld [tilespmem:s30+$0x7200]  }
0x3d: {  	v5 =	vld.idx.msk [tilespmem:v2+s30+$0x0 ss:$0x1], $0xffff  }
0x3e: {  	v6 =	vld.idx.msk [tilespmem:v0+s30+$0x0 ss:$0x1], $0xffff  }
0x3f: {  	s31 =	simm.s32 $0x10;
	v7 =	vld.idx.msk [tilespmem:v1+s30+$0x0 ss:$0x1], $0xffff  }
0x40: {  	v15 =	vld [tilespmem:s31+$0x7000]  }
0x41: {  	v8 =	vld.idx.msk [tilespmem:v3+s19+$0x0], $0xffff  }
0x42: {  	v9 =	vld.idx.msk [tilespmem:v3+s2+$0x0], $0xffff  }
0x43: {  	v3 =	vld.idx.msk [tilespmem:v3+s18+$0x0], $0xffff  }
0x44: {  	v10 =	vld.idx.msk [tilespmem:v4+s2+$0x0], $0xffff  }
0x45: {  	v11 =	vld.idx.msk [tilespmem:v4+s18+$0x0], $0xffff  }
0x46: {  	v4 =	vld.idx.msk [tilespmem:v4+s19+$0x0], $0xffff;
	_ =	sdelay $0x1  }
0x47: {  	v9 =	vsub.f32 v9, v6;
	v12 =	vsub.f32 v3, v7  }
0x48: {  	v8 =	vsub.f32 v8, v5;
	v6 =	vsub.f32 v10, v6;
	v10 =	vld [tilespmem:s31+$0x7200]  }
0x49: {  	v11 =	vsub.f32 v11, v7;
	v3 =	vld [tilespmem:s30+$0x7400];
	v7 =	vmul.f32 v9, v9;
	v13 =	vmul.f32 v12, v12  }
0x4a: {  	v5 =	vsub.f32 v4, v5;
	v4 =	vmul.f32 v6, v6  }
0x4b: {  	v14 =	vmul.f32 v11, v11;
	v7 =	vadd.f32 v13, v7;
	v13 =	vmul.f32 v8, v8  }
0x4c: {  	v17 =	vld.idx.msk [tilespmem:v1+s31+$0x0 ss:$0x1], $0xffff  }
0x4d: {  	v27 =	vld.idx.msk [tilespmem:v15+s2+$0x0], $0xffff;
	v4 =	vadd.f32 v14, v4;
	v7 =	vadd.f32 v13, v7;
	v13 =	vmul.f32 v5, v5  }
0x4e: {  	v28 =	vld.idx.msk [tilespmem:v15+s18+$0x0], $0xffff  }
0x4f: {  	v14 =	vld.idx.msk [tilespmem:v0+s31+$0x0 ss:$0x1], $0xffff;
	v18 =	vshra.s32 v7, $0x1;
	v19 =	vmul.f32 $5.000000000e-01, v7;
	v4 =	vadd.f32 v13, v4  }
0x50: {  	v7 =	vld.idx.msk [tilespmem:v10+s19+$0x0], $0xffff;
	v13 =	vsub.s32 $0x5F3759DF, v18  }
0x51: {  	v22 =	vld.idx.msk [tilespmem:v3+s20+$0x0], $0xffff;
	v20 =	vmul.f32 v13, v19;
	v21 =	vshra.s32 v4, $0x1;
	v25 =	vmul.f32 $5.000000000e-01, v4  }
0x52: {  	v23 =	vld.idx.msk [tilespmem:v3+s21+$0x0], $0xffff;
	v21 =	vsub.s32 $0x5F3759DF, v21  }
0x53: {  	v18 =	vld.idx.msk [tilespmem:v3+s22+$0x0], $0xffff;
	v4 =	vmul.f32 v13, v20;
	v20 =	vmul.f32 v21, v25  }
0x54: {  	v24 =	vld.idx.msk [tilespmem:v10+s2+$0x0], $0xffff  }
0x55: {  	v10 =	vld.idx.msk [tilespmem:v10+s18+$0x0], $0xffff;
	v20 =	vmul.f32 v21, v20;
	v26 =	vsub.f32 $1.500000000e+00, v4  }
0x56: {  	v30 =	vmul.f32 v6, v22;
	v22 =	vmul.f32 v9, v22  }
0x57: {  	v16 =	vld.idx.msk [tilespmem:v2+s31+$0x0 ss:$0x1], $0xffff;
	v12 =	vmul.f32 v12, v23;
	v20 =	vsub.f32 $1.500000000e+00, v20;
	v26 =	vmul.f32 v13, v26  }
0x58: {  	v6 =	vld.idx.msk [tilespmem:v15+s19+$0x0], $0xffff;
	v29 =	vmul.f32 v8, v18;
	v18 =	vmul.f32 v5, v18  }
0x59: {  	s30 =	simm.s32 $0x20;
	v9 =	vsub.f32 v27, v14;
	v21 =	vmul.f32 v21, v20;
	v15 =	vmul.f32 v26, v19  }
0x5a: {  	v5 =	vsub.f32 v10, v17;
	v10 =	vsub.f32 v28, v17;
	v13 =	vld [tilespmem:s30+$0x7200];
	v20 =	vmul.f32 v11, v23  }
0x5b: {  	v8 =	vsub.f32 v24, v14;
	v11 =	vmul.f32 v15, v26;
	v14 =	vmul.f32 v21, v25  }
0x5c: {  	v7 =	vsub.f32 v7, v16;
	v24 =	vmul.f32 v5, v5;
	v27 =	vmul.f32 v10, v10;
	v15 =	vld [tilespmem:s30+$0x7000]  }
0x5d: {  	v17 =	vsub.f32 $1.500000000e+00, v11;
	v14 =	vmul.f32 v14, v21;
	v11 =	vsub.f32 v6, v16;
	v6 =	vld [tilespmem:s31+$0x7400]  }
0x5e: {  	v4 =	vimm.f32 $0.0e+00;
	v23 =	vmul.f32 v8, v8;
	v16 =	vmul.f32 v9, v9  }
0x5f: {  	v28 =	vadd.f32 v20, v30;
	v20 =	vmul.f32 v17, v26;
	v14 =	vsub.f32 $1.500000000e+00, v14  }
0x60: {  	v12 =	vadd.f32 v12, v22;
	v17 =	vld.idx.msk [tilespmem:v2+s30+$0x0 ss:$0x1], $0xffff;
	v26 =	vadd.f32 v27, v16;
	v27 =	vmul.f32 v11, v11  }
0x61: {  	v63 =	vadd.f32 v24, v23;
	v16 =	vld.idx.msk [tilespmem:v0+s30+$0x0 ss:$0x1], $0xffff;
	v23 =	vmul.f32 v20, v19;
	v19 =	vmul.f32 v14, v21  }
0x62: {  	v31 =	vmul.f32 v7, v7;
	v18 =	vadd.f32 v18, v28;
	v22 =	vld.idx.msk [tilespmem:v13+s19+$0x0], $0xffff;
	v26 =	vadd.f32 v27, v26  }
0x63: {  	v14 =	vld.idx.msk [tilespmem:v1+s30+$0x0 ss:$0x1], $0xffff;
	v24 =	vmul.f32 v23, v20;
	v23 =	vadd.f32 v29, v12;
	v25 =	vmul.f32 v19, v25  }
0x64: {  	s31 =	simm.s32 $0xC0;
	v21 =	vld.idx.msk [tilespmem:v15+s19+$0x0], $0xffff;
	v27 =	vshra.s32 v26, $0x1;
	v12 =	vmul.f32 $5.000000000e-01, v26;
	v26 =	vadd.f32 v31, v63  }
.LBB2_2:
0x65: {  	p0 =	sne.s32 s31, $0x7C0;
	v28 =	vld.idx.msk [tilespmem:v6+s22+$0x0], $0xffff;
	v27 =	vsub.s32 $0x5F3759DF, v27;
	v24 =	vsub.f32 $1.500000000e+00, v24;
	v25 =	vmul.f32 v25, v19  }
0x66: {  	v29 =	vld.idx.msk [tilespmem:v6+s20+$0x0], $0xffff;
	v30 =	vmul.f32 v27, v12;
	v31 =	vshra.s32 v26, $0x1;
	v26 =	vmul.f32 $5.000000000e-01, v26  }
0x67: {  	v32 =	vld.idx.msk [tilespmem:v6+s21+$0x0], $0xffff;
	v31 =	vsub.s32 $0x5F3759DF, v31;
	v20 =	vmul.f32 v24, v20;
	v24 =	vsub.f32 $1.500000000e+00, v25  }
0x68: {  	v23 =	vand.u32 $0x7FFFFFFF, v23;
	v25 =	vld.idx.msk [tilespmem:v13+s2+$0x0], $0xffff;
	v30 =	vmul.f32 v27, v30;
	v33 =	vmul.f32 v31, v26  }
0x69: {  	v22 =	vsub.f32 v22, v17;
	v13 =	vld.idx.msk [tilespmem:v13+s18+$0x0], $0xffff;
	v20 =	vmul.f32 v20, v23;
	v19 =	vmul.f32 v24, v19  }
0x6a: {  	v18 =	vand.u32 $0x7FFFFFFF, v18;
	v21 =	vsub.f32 v21, v17;
	v23 =	vld.idx.msk [tilespmem:v15+s2+$0x0], $0xffff;
	v17 =	vmul.f32 v31, v33  }
0x6b: {  	v24 =	vsub.f32 $1.500000000e+00, v30;
	v20 =	vadd.f32 $0.0e+00, v20;
	v18 =	vmul.f32 v19, v18;
	v19 =	vld.idx.msk [tilespmem:v3+s23+$0x0], $0xffff;
	v3 =	vmovc v6  }
0x6c: {  	v30 =	vmul.f32 v11, v28;
	v28 =	vmul.f32 v7, v28;
	v7 =	vmovc v22;
	v6 =	vld.idx.msk [tilespmem:v15+s18+$0x0], $0xffff;
	v15 =	vsub.f32 $1.500000000e+00, v17  }
0x6d: {  	v11 =	vmovc v21;
	v17 =	vmul.f32 v27, v24;
	v24 =	vmul.f32 v8, v29;
	v18 =	vadd.f32 v18, v20  }
0x6e: {  	v8 =	vsub.f32 v25, v16;
	v20 =	vmul.f32 v5, v32;
	v25 =	vmul.f32 v31, v15  }
0x6f: {  	v5 =	vsub.f32 v13, v14;
	v15 =	vmul.f32 v17, v12;
	v18 =	vmul.f32 $5.000000000e-01, v18  }
0x70: {  	s1 =	sshra.s32 s31, $0x2;
	v27 =	vmul.f32 v9, v29;
	v9 =	vsub.f32 v23, v16;
	v16 =	vmul.f32 v10, v32  }
0x71: {  	v23 =	vmul.f32 v15, v17;
	v29 =	vmul.f32 v25, v26;
	v13 =	vld [tilespmem:s1+$0x7200];
	v18 =	vsub.f32 v18, v19  }
0x72: {  	v10 =	vsub.f32 v6, v14;
	v14 =	vmul.f32 v8, v8;
	v19 =	vmul.f32 v5, v5;
	v15 =	vld [tilespmem:s1+$0x7000]  }
0x73: {  	v23 =	vsub.f32 $1.500000000e+00, v23;
	v29 =	vmul.f32 v29, v25;
	v6 =	vld [tilespmem:s30+$0x7400];
	v18 =	vmul.f32 v18, v18;
	s30 =	smov.u32 s1  }
0x74: {  	v24 =	vadd.f32 v20, v24;
	v31 =	vmul.f32 v9, v9;
	v32 =	vmul.f32 v10, v10  }
0x75: {  	v20 =	vmul.f32 v23, v17;
	v23 =	vsub.f32 $1.500000000e+00, v29;
	v4 =	vadd.f32 v18, v4  }
.Ltmp0:
0x76: {  	v21 =	vmul.f32 v21, v11;
	v27 =	vadd.f32 v16, v27;
	v18 =	vadd.f32 v32, v31;
	v17 =	vld.idx.msk [tilespmem:v2+s30+$0x0 ss:$0x1], $0xffff;
	(pc) =	sbr.rel @p0 .LBB2_2-.Ltmp0, $4  }
0x77: {  	v29 =	vadd.f32 v19, v14;
	v12 =	vmul.f32 v20, v12;
	v19 =	vmul.f32 v23, v25;
	v16 =	vld.idx.msk [tilespmem:v0+s30+$0x0 ss:$0x1], $0xffff  }
0x78: {  	v32 =	vmul.f32 v22, v7;
	v31 =	vadd.f32 v21, v18;
	v18 =	vadd.f32 v28, v24;
	v14 =	vld.idx.msk [tilespmem:v1+s30+$0x0 ss:$0x1], $0xffff  }
0x79: {  	v23 =	vadd.f32 v30, v27;
	v24 =	vmul.f32 v12, v20;
	v25 =	vmul.f32 v19, v26;
	v22 =	vld.idx.msk [tilespmem:v13+s19+$0x0], $0xffff  }
0x7a: {  	s31 =	sadd.s32 $0x40, s31;
	v26 =	vadd.f32 v32, v29;
	v27 =	vshra.s32 v31, $0x1;
	v12 =	vmul.f32 $5.000000000e-01, v31;
	v21 =	vld.idx.msk [tilespmem:v15+s19+$0x0], $0xffff  }
0x7b: {  	_ =	sdelay $0x3  }
0x7c: {  	v28 =	vld.idx.msk [tilespmem:v15+s2+$0x0], $0xffff  }
0x7d: {  	v39 =	vld.idx.msk [tilespmem:v15+s18+$0x0], $0xffff  }
0x7e: {  	v27 =	vsub.s32 $0x5F3759DF, v27;
	v24 =	vsub.f32 $1.500000000e+00, v24;
	v29 =	vld.idx.msk [tilespmem:v13+s2+$0x0], $0xffff  }
0x7f: {  	v25 =	vmul.f32 v25, v19;
	v41 =	vld.idx.msk [tilespmem:v13+s18+$0x0], $0xffff;
	v30 =	vmul.f32 v27, v12;
	v31 =	vshra.s32 v26, $0x1  }
0x80: {  	v23 =	vand.u32 $0x7FFFFFFF, v23;
	v40 =	vmul.f32 $5.000000000e-01, v26;
	v31 =	vsub.s32 $0x5F3759DF, v31  }
0x81: {  	v20 =	vmul.f32 v24, v20;
	v42 =	vsub.f32 $1.500000000e+00, v25;
	v43 =	vmul.f32 v27, v30  }
0x82: {  	v44 =	vmul.f32 v31, v40;
	v28 =	vsub.f32 v28, v16;
	v15 =	vsub.f32 v39, v14  }
0x83: {  	v54 =	vld.idx.msk [tilespmem:v6+s22+$0x0], $0xffff;
	v20 =	vmul.f32 v20, v23;
	v45 =	vsub.f32 v21, v17;
	v16 =	vsub.f32 v29, v16  }
0x84: {  	v13 =	vsub.f32 v41, v14;
	v46 =	vmul.f32 v28, v28;
	v47 =	vmul.f32 v15, v15  }
0x85: {  	v22 =	vsub.f32 v22, v17;
	v48 =	vmul.f32 v42, v19;
	v52 =	vmul.f32 v45, v45  }
0x86: {  	v50 =	vmul.f32 v16, v16;
	v51 =	vmul.f32 v13, v13;
	v14 =	vadd.f32 v47, v46  }
0x87: {  	v49 =	vsub.f32 $1.500000000e+00, v43;
	v53 =	vmul.f32 v31, v44;
	v55 =	vmul.f32 v22, v22  }
0x88: {  	v11 =	vmul.f32 v11, v54;
	v24 =	vadd.f32 v51, v50;
	v14 =	vadd.f32 v52, v14  }
0x89: {  	v59 =	vld.idx.msk [tilespmem:v6+s20+$0x0], $0xffff;
	v7 =	vmul.f32 v7, v54;
	v23 =	vmul.f32 v27, v49  }
0x8a: {  	v62 =	vld [tilespmem:s30+$0x7400];
	v21 =	vadd.f32 v55, v24;
	v57 =	vshra.s32 v14, $0x1;
	v14 =	vmul.f32 $5.000000000e-01, v14  }
0x8b: {  	v58 =	vsub.f32 $1.500000000e+00, v53;
	v56 =	vmul.f32 v23, v12;
	v25 =	vsub.s32 $0x5F3759DF, v57  }
0x8c: {  	v32 =	vshra.s32 v21, $0x1;
	v21 =	vmul.f32 $5.000000000e-01, v21;
	v60 =	vmul.f32 v25, v14  }
0x8d: {  	v19 =	vmul.f32 v56, v23;
	v24 =	vmul.f32 v31, v58;
	v61 =	vsub.s32 $0x5F3759DF, v32  }
0x8e: {  	v33 =	vld.idx.msk [tilespmem:v6+s21+$0x0], $0xffff;
	v34 =	vmul.f32 v61, v21;
	v30 =	vmul.f32 v25, v60  }
0x8f: {  	v8 =	vmul.f32 v8, v59;
	v63 =	vmul.f32 v24, v40  }
0x90: {  	v19 =	vsub.f32 $1.500000000e+00, v19;
	v34 =	vmul.f32 v61, v34;
	v30 =	vsub.f32 $1.500000000e+00, v30  }
0x91: {  	v9 =	vmul.f32 v9, v59;
	v27 =	vmul.f32 v63, v24  }
0x92: {  	v37 =	vld.idx.msk [tilespmem:v62+s22+$0x0], $0xffff;
	v19 =	vmul.f32 v19, v23;
	v23 =	vsub.f32 $1.500000000e+00, v34;
	v25 =	vmul.f32 v25, v30  }
0x93: {  	v10 =	vmul.f32 v10, v33;
	v5 =	vmul.f32 v5, v33;
	v27 =	vsub.f32 $1.500000000e+00, v27  }
0x94: {  	v18 =	vand.u32 $0x7FFFFFFF, v18;
	v41 =	vld.idx.msk [tilespmem:v62+s21+$0x0], $0xffff;
	v23 =	vmul.f32 v61, v23;
	v36 =	vmul.f32 v25, v14  }
0x95: {  	v18 =	vmul.f32 v48, v18;
	v9 =	vadd.f32 v10, v9;
	v24 =	vmul.f32 v27, v24  }
0x96: {  	v20 =	vadd.f32 $0.0e+00, v20;
	v39 =	vmul.f32 v23, v21;
	v38 =	vmul.f32 v36, v25  }
0x97: {  	v5 =	vadd.f32 v5, v8;
	v9 =	vadd.f32 v11, v9;
	v45 =	vmul.f32 v45, v37  }
0x98: {  	v26 =	vmul.f32 v24, v40;
	v40 =	vld.idx.msk [tilespmem:v62+s20+$0x0], $0xffff;
	v29 =	vmul.f32 v39, v23;
	v27 =	vsub.f32 $1.500000000e+00, v38  }
0x99: {  	v46 =	vadd.f32 v18, v20;
	v15 =	vmul.f32 v15, v41;
	v35 =	vmul.f32 v19, v12  }
0x9a: {  	v11 =	vmul.f32 v13, v41;
	v43 =	vsub.f32 $1.500000000e+00, v29;
	v42 =	vmul.f32 v27, v25  }
0x9b: {  	v5 =	vadd.f32 v7, v5;
	v10 =	vmul.f32 v22, v37;
	v12 =	vmul.f32 v35, v19  }
0x9c: {  	v9 =	vand.u32 $0x7FFFFFFF, v9;
	v47 =	vmul.f32 v43, v23;
	v14 =	vmul.f32 v42, v14  }
0x9d: {  	v5 =	vand.u32 $0x7FFFFFFF, v5;
	v26 =	vmul.f32 v26, v24;
	v48 =	vmul.f32 v28, v40  }
0x9e: {  	v12 =	vsub.f32 $1.500000000e+00, v12;
	v50 =	vmul.f32 v47, v21;
	v14 =	vmul.f32 v14, v42  }
0x9f: {  	v49 =	vsub.f32 $1.500000000e+00, v26;
	v16 =	vmul.f32 v16, v40;
	v7 =	vadd.f32 v15, v48  }
0xa0: {  	v12 =	vmul.f32 v12, v19;
	v52 =	vmul.f32 v50, v47;
	v14 =	vsub.f32 $1.500000000e+00, v14  }
0xa1: {  	v51 =	vmul.f32 v49, v24;
	v11 =	vadd.f32 v11, v16;
	v7 =	vadd.f32 v45, v7  }
0xa2: {  	v44 =	vmul.f32 v12, v9;
	v54 =	vsub.f32 $1.500000000e+00, v52;
	v53 =	vmul.f32 v14, v42  }
0xa3: {  	v3 =	vld.idx.msk [tilespmem:v3+s23+$0x0], $0xffff;
	v5 =	vmul.f32 v51, v5;
	v10 =	vadd.f32 v10, v11;
	v7 =	vand.u32 $0x7FFFFFFF, v7  }
0xa4: {  	v8 =	vadd.f32 $0.0e+00, v44;
	v55 =	vmul.f32 v54, v47;
	v7 =	vmul.f32 v53, v7  }
0xa5: {  	v56 =	vmul.f32 $5.000000000e-01, v46;
	v57 =	vld.idx.msk [tilespmem:v6+s23+$0x0], $0xffff;
	v10 =	vand.u32 $0x7FFFFFFF, v10  }
0xa6: {  	v5 =	vadd.f32 v5, v8;
	v58 =	vmul.f32 v55, v10;
	v7 =	vadd.f32 $0.0e+00, v7  }
0xa7: {  	v59 =	vld.idx.msk [tilespmem:v62+s23+$0x0], $0xffff  }
0xa8: {  	v3 =	vsub.f32 v56, v3;
	v5 =	vmul.f32 $5.000000000e-01, v5;
	v7 =	vadd.f32 v58, v7;
	_ =	sdelay $0x1  }
0xa9: {  	v3 =	vmul.f32 v3, v3;
	v5 =	vsub.f32 v5, v57;
	v60 =	vmul.f32 $5.000000000e-01, v7;
	_ =	sdelay $0x1  }
0xaa: {  	v3 =	vadd.f32 v3, v4;
	v61 =	vmul.f32 v5, v5;
	v62 =	vsub.f32 v60, v59;
	_ =	sdelay $0x1  }
0xab: {  	v3 =	vadd.f32 v61, v3;
	v63 =	vmul.f32 v62, v62;
	_ =	sdelay $0x1  }
0xac: {  	s29 =	sadd.s32 $0x1, s29;
	v3 =	vadd.f32 v63, v3  }
0xad: {  	p0 =	sne.s32 s29, s14  }
.Ltmp1:
0xae: {  	[tilespmem:$0x7600] =	vst v3;
	(pc) =	sbr.rel @p0 .LBB2_1-.Ltmp1, $4  }
0xaf: {  	[hbm4b:s13+s2] =	stream.linear.scatter [tilespmem:s28], [sflag:$0x1], $0x80, $0x38;
	[tilespmem:$0x7680] =	vst v63  }
0xb0: {  	_ =	swait.ge [sflag:s17], $0x80  }
0xb1: {  	[sflag:s17] =	ssyncset.done $0x0  }
0xb2: {  	[sflag:s17] =	ssyncadd.s32 $0xFFFFFF80  }
0xb3: {  	_ =	sfence.sel $0x180000  }
0xb4: {  	[bflag:$0x0] =	sbarrier.arrive $0xFFFF  }
0xb5: {  	_ =	strace $0x9000004A  }
0xb6: {  	[bflag:$0x2] =	sbarrier.arrive $0xFFFF  }
0xb7: {  	p0 =	sne.s32 s0, $0x0;
	s0 =	rddreg [dreg:$0x1]  }
0xb8: {  	s0 =	sadd.s32 @!p0 $0x100000, s0  }
0xb9: {  	[sflag:s0] =	ssyncadd.tile.s32 @!p0 $0x1;
	_ =	shalt  }
.Lfunc_end2:
_tile_overlayer_lowered:
.L_overlay_start_2:
0xba: {  	(tag) =	ssettag $0x2  }
0xbb: {  	s0 =	rddreg [dreg:$0x0];
	s2 =	stileid.u32  }
0xbc: {  	s1 =	rddreg [dreg:$0x1];
	p0 =	sne.s32 s2, $0x0  }
0xbd: {  	s3 =	rddreg [dreg:$0x2];
	[bflag:$0x3] =	sbarrier.arrive $0xFFFF;
	s2 =	simm.s32 @!p0 $0x1C01  }
0xbe: {  	[timem:s3], [sflag:s2] =	dma.local @!p0 [hbm:s0], s1  }
0xbf: {  	s0 =	simm.s32 @!p0 $0x1  }
0xc0: {  	_ =	swait.ge @!p0 [sflag:s0], s1  }
0xc1: {  	s1 =	ssub.s32 @!p0 $0x0, s1;
	[sflag:s0] =	ssyncset.done @!p0 $0x0  }
0xc2: {  	[sflag:s0] =	ssyncadd.s32 @!p0 s1  }
0xc3: {  	[bflag:$0x3] =	sbarrier.arrive $0xFFFF  }
0xc4: {  	_ =	shalt  }

</sc_bundles>
